<compile_context>
chip_gen: v7x
topology: tpu7x:2x2x1
jax: 0.10.2.dev20260603
libtpu: 0.0.44.dev20260713+nightly
codegen_flags: <defaults>
</compile_context>

<pallas_src>
import functools

import jax
import jax.numpy as jnp
from jax import lax
from jax.experimental import pallas as pl
from jax.experimental.pallas import tpu as pltpu
from jax.experimental.pallas import tpu_sc as plsc

D = 64
FAN = 10
CHUNK = 128


def _sc_gather(table, idx2, idx1, idx0, w1, n2, n1, n0):
    info = plsc.get_sparse_core_info()
    nc, ns = info.num_cores, info.num_subcores
    ch2, ch1 = idx2.shape[1], idx1.shape[1]
    ch0 = idx0.shape[1] if idx0 is not None else 0

    mesh = plsc.VectorSubcoreMesh(core_axis_name="c", subcore_axis_name="s")

    out_type = [
        jax.ShapeDtypeStruct((n2, 128), jnp.float32),
        jax.ShapeDtypeStruct((n1, 128), jnp.float32),
    ]
    scratch = [
        pltpu.VMEM((ch2, CHUNK), jnp.int32),
        pltpu.VMEM((ch1, CHUNK), jnp.int32),
        pltpu.VMEM((ch2, CHUNK), jnp.float32),
        pltpu.VMEM((2, CHUNK, 128), jnp.float32),
        pltpu.SemaphoreType.DMA,
    ]
    if idx0 is not None:
        out_type.append(jax.ShapeDtypeStruct((n0, 128), jnp.float32))
        scratch.insert(2, pltpu.VMEM((ch0, CHUNK), jnp.int32))

    @functools.partial(
        pl.kernel,
        mesh=mesh,
        compiler_params=pltpu.CompilerParams(use_tc_tiling_on_sc=False,
                                             needs_layout_passes=False),
        out_type=tuple(out_type),
        scratch_types=scratch,
    )
    def gather_kernel(table_hbm, i2_hbm, i1_hbm, *rest):
        if idx0 is not None:
            (i0_hbm, w1_hbm, e2_hbm, e1_hbm, e0_hbm,
             i2_v, i1_v, i0_v, w1_v, rows_v, sem) = rest
        else:
            (w1_hbm, e2_hbm, e1_hbm,
             i2_v, i1_v, w1_v, rows_v, sem) = rest
        wid = lax.axis_index("s") * nc + lax.axis_index("c")

        def run(idx_hbm, idx_v, nch, out_hbm, scribble_w):
            pltpu.sync_copy(idx_hbm.at[wid], idx_v)
            base = wid * nch * CHUNK
            pltpu.async_copy(table_hbm.at[idx_v.at[0]], rows_v.at[0], sem)

            def body(i, carry):
                slot = lax.rem(i, 2)
                nslot = lax.rem(i + 1, 2)

                @pl.when(i + 1 < nch)
                def _():
                    pltpu.async_copy(table_hbm.at[idx_v.at[i + 1]],
                                     rows_v.at[nslot], sem)

                pltpu.make_async_copy(table_hbm.at[idx_v.at[i]],
                                      rows_v.at[slot], sem).wait()
                if scribble_w:
                    def grpfn(g, c):
                        w16 = w1_v[i, pl.ds(16 * g, 16)]
                        idx_r = 16 * g + lax.broadcasted_iota(
                            jnp.int32, (16,), 0)
                        idx_c = jnp.full((16,), D, jnp.int32)
                        plsc.store_scatter(rows_v.at[slot],
                                           [idx_r, idx_c], w16)
                        return c

                    lax.fori_loop(0, CHUNK // 16, grpfn, 0)
                pltpu.sync_copy(rows_v.at[slot],
                                out_hbm.at[pl.ds(base + i * CHUNK, CHUNK)])
                return carry

            lax.fori_loop(0, nch, body, 0)

        pltpu.sync_copy(w1_hbm.at[wid], w1_v)
        run(i2_hbm, i2_v, ch2, e2_hbm, True)
        run(i1_hbm, i1_v, ch1, e1_hbm, False)
        if idx0 is not None:
            run(i0_hbm, i0_v, ch0, e0_hbm, False)

    if idx0 is not None:
        return gather_kernel(table, idx2, idx1, idx0, w1)
    return gather_kernel(table, idx2, idx1, w1)


def _l2n(z):
    zn = jnp.sqrt(jnp.sum(z * z, axis=1, keepdims=True))
    zn = jnp.where(zn == 0, jnp.float32(1.0), zn)
    return z / zn


def _dense_body(BI, PARTS):
    def body(e0, e1, e2, w0, Fbig, Fsml, WB0t, Wq1t, WA1t, WB1t, WG1t,
             WG2t, av, c1v, bq1v, bw1v, bG1v, out):
        a = av[...]
        c1 = c1v[...]
        Fb = Fbig[...]
        Fs = Fsml[...]

        def fansum_big(t):
            rp = t.shape[0] // PARTS
            return jnp.concatenate(
                [jnp.dot(Fb, t[p * rp:(p + 1) * rp]) for p in range(PARTS)],
                axis=0)

        x2 = e2[...]
        t2 = jnp.maximum(x2[:, :D] + a, 0.0) * x2[:, D:D + 1]
        wn1 = fansum_big(t2)
        x1 = e1[...]
        h1 = _l2n(jnp.maximum(
            x1[:, D:] + c1 + jnp.dot(wn1, WB0t[...]), 0.0))
        t1 = jnp.maximum(x1[:, :D] + a, 0.0) * w0[...]
        wn0 = jnp.dot(Fs, t1)
        h0 = _l2n(jnp.maximum(
            e0[...][:, D:] + c1 + jnp.dot(wn0, WB0t[...]), 0.0))
        nb = jnp.maximum(jnp.dot(h1, Wq1t[...]) + bq1v[...], 0.0) * w0[...]
        wn = jnp.dot(Fs, nb)
        hF = _l2n(jnp.maximum(
            jnp.dot(h0, WA1t[...]) + jnp.dot(wn, WB1t[...]) + bw1v[...], 0.0))
        g = jnp.maximum(jnp.dot(hF, WG1t[...]) + bG1v[...], 0.0)
        out[...] = jnp.dot(g, WG2t[...])

    return body


def _dense(E0, E1, E2, w0c, WB0t, Wq1t, WA1t, WB1t, WG1t, WG2t,
           a, c1, bq1, bw1, bG1, B):
    BI = 64
    PARTS = 8
    grid = (B // BI,)

    nbig = BI * FAN * FAN // PARTS
    Fbig = jnp.kron(jnp.eye(nbig // FAN, dtype=jnp.float32),
                    jnp.ones((1, FAN), jnp.float32))
    Fsml = jnp.kron(jnp.eye(BI, dtype=jnp.float32),
                    jnp.ones((1, FAN), jnp.float32))

    def full(shape):
        return pl.BlockSpec(shape, lambda i: (0,) * len(shape))

    w_spec = full((D, D))
    b_spec = full((1, D))
    return pl.pallas_call(
        _dense_body(BI, PARTS),
        grid=grid,
        in_specs=[
            pl.BlockSpec((BI, 2 * D), lambda i: (i, 0)),
            pl.BlockSpec((BI * FAN, 2 * D), lambda i: (i, 0)),
            pl.BlockSpec((BI * FAN * FAN, 2 * D), lambda i: (i, 0)),
            pl.BlockSpec((BI * FAN, 1), lambda i: (i, 0)),
            full((nbig // FAN, nbig)), full((BI, BI * FAN)),
            w_spec, w_spec, w_spec, w_spec, w_spec, w_spec,
            b_spec, b_spec, b_spec, b_spec, b_spec,
        ],
        out_specs=pl.BlockSpec((BI, D), lambda i: (i, 0)),
        out_shape=jax.ShapeDtypeStruct((B, D), jnp.float32),
    )(E0, E1, E2, w0c, Fbig, Fsml, WB0t, Wq1t, WA1t, WB1t, WG1t, WG2t,
      a, c1, bq1, bw1, bG1)


def kernel(items, neighbors0, neighbors1, weights0, weights1, offsets0,
           offsets1, item_table, Wp, bp, Wq0, bq0, Ww0, bw0, Wq1, bq1, Ww1,
           bw1, WG1, bG1, WG2):
    B = items.shape[0]
    n1 = neighbors0.shape[0]
    n2 = neighbors1.shape[0]

    info = plsc.get_sparse_core_info()
    nw = info.num_cores * info.num_subcores

    WwA0, WwB0 = Ww0[:, :D], Ww0[:, D:]
    WwA1, WwB1 = Ww1[:, :D], Ww1[:, D:]
    A = Wq0 @ Wp
    a = (Wq0 @ bp + bq0)[None, :]
    C1 = WwA0 @ Wp
    c1 = (WwA0 @ bp + bw0)[None, :]

    W2 = jnp.concatenate([A.T, C1.T], axis=1)
    TAC = item_table @ W2

    com = (WwB0.T, Wq1.T, WwA1.T, WwB1.T, WG1.T, WG2.T,
           a, c1, bq1[None, :], bw1[None, :], bG1[None, :])

    Bh, n1h, n2h = B // 2, n1 // 2, n2 // 2
    idx0 = items.astype(jnp.int32).reshape(nw, -1, CHUNK)
    E2a, E1a, E0 = _sc_gather(
        TAC,
        neighbors1[:n2h].astype(jnp.int32).reshape(nw, -1, CHUNK),
        neighbors0[:n1h].astype(jnp.int32).reshape(nw, -1, CHUNK),
        idx0,
        weights1[:n2h].reshape(nw, -1, CHUNK), n2h, n1h, B)
    E2b, E1b = _sc_gather(
        TAC,
        neighbors1[n2h:].astype(jnp.int32).reshape(nw, -1, CHUNK),
        neighbors0[n1h:].astype(jnp.int32).reshape(nw, -1, CHUNK),
        None,
        weights1[n2h:].reshape(nw, -1, CHUNK), n2h, n1h, 0)
    outa = _dense(E0[:Bh], E1a, E2a, weights0[:n1h, None], *com, B=Bh)
    outb = _dense(E0[Bh:], E1b, E2b, weights0[n1h:, None], *com, B=Bh)
    return jnp.concatenate([outa, outb], axis=0)

# --- scband reference (transcript-rebuilt; emitter-appended) ---
"""Pipeline reference for scband-pin-sage-model-13125420056894 (READ-ONLY COPY).

The authoritative reference and input builder live on the scoring server;
editing this copy changes nothing except your own understanding.
"""

import jax, jax.numpy as jnp
import numpy as np

N_ITEMS = 1000000
D = 64
B = 4096
FAN = 10


def linear(x, W, b):
    return x @ W.T + b


def embed_bag(nb, w, offsets, nseg):
    n = nb.shape[0]
    seg = jnp.cumsum(jnp.zeros((n,), jnp.int32).at[offsets].add(1)) - 1
    return jax.ops.segment_sum(nb * w[:, None], seg, num_segments=nseg)


def l2norm(z):
    zn = jnp.linalg.norm(z, axis=1, keepdims=True)
    zn = jnp.where(zn == 0, jnp.float32(1.0), zn)
    return z / zn


def setup_inputs(seed: int = 0):
    key = jax.random.key(seed)
    ks = jax.random.split(key, 20)
    s = 0.05
    inp = {}
    inp['items'] = jax.random.randint(ks[0], (B,), 0, N_ITEMS)
    inp['neighbors0'] = jax.random.randint(ks[1], (B * FAN,), 0, N_ITEMS)
    inp['neighbors1'] = jax.random.randint(ks[2], (B * FAN * FAN,), 0, N_ITEMS)
    inp['weights0'] = jax.random.uniform(ks[3], (B * FAN,), jnp.float32)
    inp['weights1'] = jax.random.uniform(ks[4], (B * FAN * FAN,), jnp.float32)
    inp['offsets0'] = jnp.arange(B, dtype=jnp.int32) * FAN
    inp['offsets1'] = jnp.arange(B * FAN, dtype=jnp.int32) * FAN
    inp['item_table'] = jax.random.normal(ks[5], (N_ITEMS, D), jnp.float32) * s
    inp['Wp'] = jax.random.normal(ks[6], (D, D), jnp.float32) * s
    inp['bp'] = jnp.zeros((D,), jnp.float32)
    inp['Wq0'] = jax.random.normal(ks[7], (D, D), jnp.float32) * s
    inp['bq0'] = jnp.zeros((D,), jnp.float32)
    inp['Ww0'] = jax.random.normal(ks[8], (D, 2 * D), jnp.float32) * s
    inp['bw0'] = jnp.zeros((D,), jnp.float32)
    inp['Wq1'] = jax.random.normal(ks[9], (D, D), jnp.float32) * s
    inp['bq1'] = jnp.zeros((D,), jnp.float32)
    inp['Ww1'] = jax.random.normal(ks[10], (D, 2 * D), jnp.float32) * s
    inp['bw1'] = jnp.zeros((D,), jnp.float32)
    inp['WG1'] = jax.random.normal(ks[11], (D, D), jnp.float32) * s
    inp['bG1'] = jnp.zeros((D,), jnp.float32)
    inp['WG2'] = jax.random.normal(ks[12], (D, D), jnp.float32) * s
    return inp


def reference(items, neighbors0, neighbors1, weights0, weights1, offsets0, offsets1, item_table, Wp, bp, Wq0, bq0, Ww0, bw0, Wq1, bq1, Ww1, bw1, WG1, bG1, WG2):
    # raw features: embedding gather + item projection (no sparse/dense feats)
    hidden = [
        linear(jnp.take(item_table, items, axis=0), Wp, bp),
        linear(jnp.take(item_table, neighbors0, axis=0), Wp, bp),
        linear(jnp.take(item_table, neighbors1, axis=0), Wp, bp),
    ]
    qs = [(Wq0, bq0), (Wq1, bq1)]
    ws = [(Ww0, bw0), (Ww1, bw1)]
    wts = [weights0, weights1]
    offs = [offsets0, offsets1]
    num_layers = 2
    for layer in range(num_layers):
        Wq, bq = qs[layer]
        Ww, bw = ws[layer]
        nxt = []
        depth = num_layers - layer
        for k in range(depth):
            cur = hidden[k]
            nbe = jax.nn.relu(linear(hidden[k + 1], Wq, bq))
            wn = embed_bag(nbe, wts[k], offs[k], cur.shape[0])
            z = jax.nn.relu(linear(jnp.concatenate([cur, wn], axis=1), Ww, bw))
            nxt.append(l2norm(z))
        hidden = nxt
    return jax.nn.relu(linear(hidden[0], WG1, bG1)) @ WG2.T

if __name__ == "__main__":
    import jax
    _d = setup_inputs()
    print(jax.jit(kernel)(*tuple(_d.values())))

</pallas_src>

<mosaic_0001>
#map = affine_map<(d0, d1) -> (0, 0)>
#map1 = affine_map<(d0, d1) -> (0, 0, 0)>
module attributes {stable_mosaic.version = 14 : i64} {
  func.func @gather_kernel(%arg0: i32, %arg1: i32, %arg2: memref<1000000x128xf32, #tpu.memory_space<hbm>>, %arg3: memref<32x50x128xi32, #tpu.memory_space<hbm>>, %arg4: memref<32x5x128xi32, #tpu.memory_space<hbm>>, %arg5: memref<32x1x128xi32, #tpu.memory_space<hbm>>, %arg6: memref<32x50x128xf32, #tpu.memory_space<hbm>>, %arg7: memref<204800x128xf32, #tpu.memory_space<hbm>>, %arg8: memref<20480x128xf32, #tpu.memory_space<hbm>>, %arg9: memref<4096x128xf32, #tpu.memory_space<hbm>>, %arg10: memref<50x128xi32, #tpu.memory_space<vmem>>, %arg11: memref<5x128xi32, #tpu.memory_space<vmem>>, %arg12: memref<1x128xi32, #tpu.memory_space<vmem>>, %arg13: memref<50x128xf32, #tpu.memory_space<vmem>>, %arg14: memref<2x128x128xf32, #tpu.memory_space<vmem>>, %arg15: memref<!tpu.dma_semaphore, #tpu.memory_space<semaphore_mem>>) attributes {dimension_semantics = [#tpu.dimension_semantics<core_parallel>, #tpu.dimension_semantics<subcore_parallel>], iteration_bounds = array<i64: 2, 16>, scalar_prefetch = 0 : i64, scratch_operands = 6 : i64, tpu.core_type = #tpu.core_type<sc_vector_subcore>, window_params = [{transform_indices = #map}, {transform_indices = #map1}, {transform_indices = #map1}, {transform_indices = #map1}, {transform_indices = #map1}, {transform_indices = #map}, {transform_indices = #map}, {transform_indices = #map}]} {
    %mul3A = arith.constant 2 : i32
    %mul3A_0 = arith.muli %arg1, %mul3A : i32
    %add3A = arith.addi %mul3A_0, %arg0 : i32
    "tpu.region"() ({
      %run_scoped3A = tpu.sem_alloc : memref<!tpu.dma_semaphore, #tpu.memory_space<semaphore_mem>>
      %dma_start3A_83 = arith.constant 0 : i32
      %dma_start3A_84 = arith.constant 0 : i32
      %dma_start3A_85 = tpu.memref_slice %arg6[%add3A, %dma_start3A_83, %dma_start3A_84] : memref<32x50x128xf32, #tpu.memory_space<hbm>> -> memref<1x50x128xf32, #tpu.memory_space<hbm>>
      %dma_start3A_86 = tpu.memref_squeeze %dma_start3A_85 : memref<1x50x128xf32, #tpu.memory_space<hbm>> -> memref<50x128xf32, #tpu.memory_space<hbm>>
      %dma_start3A_87 = arith.constant 0 : i32
      %dma_start3A_88 = arith.constant 0 : i32
      %dma_start3A_89 = tpu.memref_slice %arg6[%add3A, %dma_start3A_87, %dma_start3A_88] : memref<32x50x128xf32, #tpu.memory_space<hbm>> -> memref<1x50x128xf32, #tpu.memory_space<hbm>>
      %dma_start3A_90 = tpu.memref_squeeze %dma_start3A_89 : memref<1x50x128xf32, #tpu.memory_space<hbm>> -> memref<50x128xf32, #tpu.memory_space<hbm>>
      tpu.enqueue_dma source(%dma_start3A_90 : memref<50x128xf32, #tpu.memory_space<hbm>>) target(%arg13 : memref<50x128xf32, #tpu.memory_space<vmem>>) target_semaphore(%run_scoped3A : memref<!tpu.dma_semaphore, #tpu.memory_space<semaphore_mem>>)
      %dma_wait3A_91 = arith.constant 0 : i32
      %dma_wait3A_92 = arith.constant 0 : i32
      %dma_wait3A_93 = tpu.memref_slice %arg6[%add3A, %dma_wait3A_91, %dma_wait3A_92] : memref<32x50x128xf32, #tpu.memory_space<hbm>> -> memref<1x50x128xf32, #tpu.memory_space<hbm>>
      %dma_wait3A_94 = tpu.memref_squeeze %dma_wait3A_93 : memref<1x50x128xf32, #tpu.memory_space<hbm>> -> memref<50x128xf32, #tpu.memory_space<hbm>>
      %dma_wait3A_95 = arith.constant 0 : i32
      %dma_wait3A_96 = arith.constant 0 : i32
      %dma_wait3A_97 = tpu.memref_slice %arg6[%add3A, %dma_wait3A_95, %dma_wait3A_96] : memref<32x50x128xf32, #tpu.memory_space<hbm>> -> memref<1x50x128xf32, #tpu.memory_space<hbm>>
      %dma_wait3A_98 = tpu.memref_squeeze %dma_wait3A_97 : memref<1x50x128xf32, #tpu.memory_space<hbm>> -> memref<50x128xf32, #tpu.memory_space<hbm>>
      tpu.wait_dma2 semaphore(%run_scoped3A : memref<!tpu.dma_semaphore, #tpu.memory_space<semaphore_mem>>) src(%dma_wait3A_98 : memref<50x128xf32, #tpu.memory_space<hbm>>) dst(%arg13 : memref<50x128xf32, #tpu.memory_space<vmem>>)
      tpu.yield
    }) : () -> ()
    "tpu.region"() ({
      %run_scoped3A = tpu.sem_alloc : memref<!tpu.dma_semaphore, #tpu.memory_space<semaphore_mem>>
      %dma_start3A_83 = arith.constant 0 : i32
      %dma_start3A_84 = arith.constant 0 : i32
      %dma_start3A_85 = tpu.memref_slice %arg3[%add3A, %dma_start3A_83, %dma_start3A_84] : memref<32x50x128xi32, #tpu.memory_space<hbm>> -> memref<1x50x128xi32, #tpu.memory_space<hbm>>
      %dma_start3A_86 = tpu.memref_squeeze %dma_start3A_85 : memref<1x50x128xi32, #tpu.memory_space<hbm>> -> memref<50x128xi32, #tpu.memory_space<hbm>>
      %dma_start3A_87 = arith.constant 0 : i32
      %dma_start3A_88 = arith.constant 0 : i32
      %dma_start3A_89 = tpu.memref_slice %arg3[%add3A, %dma_start3A_87, %dma_start3A_88] : memref<32x50x128xi32, #tpu.memory_space<hbm>> -> memref<1x50x128xi32, #tpu.memory_space<hbm>>
      %dma_start3A_90 = tpu.memref_squeeze %dma_start3A_89 : memref<1x50x128xi32, #tpu.memory_space<hbm>> -> memref<50x128xi32, #tpu.memory_space<hbm>>
      tpu.enqueue_dma source(%dma_start3A_90 : memref<50x128xi32, #tpu.memory_space<hbm>>) target(%arg10 : memref<50x128xi32, #tpu.memory_space<vmem>>) target_semaphore(%run_scoped3A : memref<!tpu.dma_semaphore, #tpu.memory_space<semaphore_mem>>)
      %dma_wait3A_91 = arith.constant 0 : i32
      %dma_wait3A_92 = arith.constant 0 : i32
      %dma_wait3A_93 = tpu.memref_slice %arg3[%add3A, %dma_wait3A_91, %dma_wait3A_92] : memref<32x50x128xi32, #tpu.memory_space<hbm>> -> memref<1x50x128xi32, #tpu.memory_space<hbm>>
      %dma_wait3A_94 = tpu.memref_squeeze %dma_wait3A_93 : memref<1x50x128xi32, #tpu.memory_space<hbm>> -> memref<50x128xi32, #tpu.memory_space<hbm>>
      %dma_wait3A_95 = arith.constant 0 : i32
      %dma_wait3A_96 = arith.constant 0 : i32
      %dma_wait3A_97 = tpu.memref_slice %arg3[%add3A, %dma_wait3A_95, %dma_wait3A_96] : memref<32x50x128xi32, #tpu.memory_space<hbm>> -> memref<1x50x128xi32, #tpu.memory_space<hbm>>
      %dma_wait3A_98 = tpu.memref_squeeze %dma_wait3A_97 : memref<1x50x128xi32, #tpu.memory_space<hbm>> -> memref<50x128xi32, #tpu.memory_space<hbm>>
      tpu.wait_dma2 semaphore(%run_scoped3A : memref<!tpu.dma_semaphore, #tpu.memory_space<semaphore_mem>>) src(%dma_wait3A_98 : memref<50x128xi32, #tpu.memory_space<hbm>>) dst(%arg10 : memref<50x128xi32, #tpu.memory_space<vmem>>)
      tpu.yield
    }) : () -> ()
    %mul3A_1 = arith.constant 50 : i32
    %mul3A_2 = arith.muli %add3A, %mul3A_1 : i32
    %mul3A_3 = arith.constant 128 : i32
    %mul3A_4 = arith.muli %mul3A_2, %mul3A_3 : i32
    %dma_start3A = arith.constant 0 : i32
    %dma_start3A_5 = arith.constant 0 : i32
    %dma_start3A_6 = arith.constant 0 : i32
    %dma_start3A_7 = arith.constant 0 : i32
    %dma_start3A_8 = tpu.memref_slice %arg14[%dma_start3A_5, %dma_start3A_6, %dma_start3A_7] : memref<2x128x128xf32, #tpu.memory_space<vmem>> -> memref<1x128x128xf32, #tpu.memory_space<vmem>>
    %dma_start3A_9 = tpu.memref_squeeze %dma_start3A_8 : memref<1x128x128xf32, #tpu.memory_space<vmem>> -> memref<128x128xf32, #tpu.memory_space<vmem>>
    %dma_start3A_10 = arith.constant 0 : i32
    %dma_start3A_11 = tpu.memref_slice %arg10[%dma_start3A, %dma_start3A_10] : memref<50x128xi32, #tpu.memory_space<vmem>> -> memref<1x128xi32, #tpu.memory_space<vmem>>
    %dma_start3A_12 = tpu.memref_squeeze %dma_start3A_11 : memref<1x128xi32, #tpu.memory_space<vmem>> -> memref<128xi32, #tpu.memory_space<vmem>>
    %dma_start3A_13 = arith.constant 0 : i32
    %dma_start3A_14 = arith.constant 0 : i32
    %dma_start3A_15 = tpu.memref_slice %arg2[%dma_start3A_13, %dma_start3A_14] : memref<1000000x128xf32, #tpu.memory_space<hbm>> -> memref<1000000x128xf32, #tpu.memory_space<hbm>>
    tpu.enqueue_indirect_dma source(%dma_start3A_15 : memref<1000000x128xf32, #tpu.memory_space<hbm>>) target(%dma_start3A_9 : memref<128x128xf32, #tpu.memory_space<vmem>>) offsets(%dma_start3A_12 : memref<128xi32, #tpu.memory_space<vmem>>) semaphore(%arg15 : memref<!tpu.dma_semaphore, #tpu.memory_space<semaphore_mem>>)
    %scan3A = arith.constant 0 : i32
    %scan3A_16 = arith.constant 0 : i32
    %scan3A_17 = arith.constant 50 : i32
    %scan3A_18 = arith.addi %scan3A_16, %scan3A_17 : i32
    %scan3A_19 = arith.constant 1 : i32
    scf.for %scan3A_83 = %scan3A_16 to %scan3A_18 step %scan3A_19  : i32 {
      %rem3A_84 = arith.constant 2 : i32
      %rem3A_85 = arith.remsi %scan3A_83, %rem3A_84 : i32
      %add3A_86 = arith.constant 1 : i32
      %add3A_87 = arith.addi %scan3A_83, %add3A_86 : i32
      %rem3A_88 = arith.constant 2 : i32
      %rem3A_89 = arith.remsi %add3A_87, %rem3A_88 : i32
      %add3A_90 = arith.constant 1 : i32
      %add3A_91 = arith.addi %scan3A_83, %add3A_90 : i32
      %lt3A_92 = arith.constant 50 : i32
      %lt3A_93 = arith.cmpi slt, %add3A_91, %lt3A_92 : i32
      %convert_element_type3A_94 = arith.extui %lt3A_93 : i1 to i32
      %cond3A_95 = arith.constant 0 : i32
      %cond3A_96 = arith.cmpi ne, %convert_element_type3A_94, %cond3A_95 : i32
      scf.if %cond3A_96 {
        %add3A_116 = arith.constant 1 : i32
        %add3A_117 = arith.addi %scan3A_83, %add3A_116 : i32
        %dma_start3A_118 = arith.constant 0 : i32
        %dma_start3A_119 = arith.constant 0 : i32
        %dma_start3A_120 = tpu.memref_slice %arg14[%rem3A_89, %dma_start3A_118, %dma_start3A_119] : memref<2x128x128xf32, #tpu.memory_space<vmem>> -> memref<1x128x128xf32, #tpu.memory_space<vmem>>
        %dma_start3A_121 = tpu.memref_squeeze %dma_start3A_120 : memref<1x128x128xf32, #tpu.memory_space<vmem>> -> memref<128x128xf32, #tpu.memory_space<vmem>>
        %dma_start3A_122 = arith.constant 0 : i32
        %dma_start3A_123 = tpu.memref_slice %arg10[%add3A_117, %dma_start3A_122] : memref<50x128xi32, #tpu.memory_space<vmem>> -> memref<1x128xi32, #tpu.memory_space<vmem>>
        %dma_start3A_124 = tpu.memref_squeeze %dma_start3A_123 : memref<1x128xi32, #tpu.memory_space<vmem>> -> memref<128xi32, #tpu.memory_space<vmem>>
        %dma_start3A_125 = arith.constant 0 : i32
        %dma_start3A_126 = arith.constant 0 : i32
        %dma_start3A_127 = tpu.memref_slice %arg2[%dma_start3A_125, %dma_start3A_126] : memref<1000000x128xf32, #tpu.memory_space<hbm>> -> memref<1000000x128xf32, #tpu.memory_space<hbm>>
        tpu.enqueue_indirect_dma source(%dma_start3A_127 : memref<1000000x128xf32, #tpu.memory_space<hbm>>) target(%dma_start3A_121 : memref<128x128xf32, #tpu.memory_space<vmem>>) offsets(%dma_start3A_124 : memref<128xi32, #tpu.memory_space<vmem>>) semaphore(%arg15 : memref<!tpu.dma_semaphore, #tpu.memory_space<semaphore_mem>>)
      } else {
      }
      %dma_wait3A_97 = arith.constant 0 : i32
      %dma_wait3A_98 = arith.constant 0 : i32
      %dma_wait3A_99 = tpu.memref_slice %arg14[%rem3A_85, %dma_wait3A_97, %dma_wait3A_98] : memref<2x128x128xf32, #tpu.memory_space<vmem>> -> memref<1x128x128xf32, #tpu.memory_space<vmem>>
      %dma_wait3A_100 = tpu.memref_squeeze %dma_wait3A_99 : memref<1x128x128xf32, #tpu.memory_space<vmem>> -> memref<128x128xf32, #tpu.memory_space<vmem>>
      %dma_wait3A_101 = arith.constant 0 : i32
      %dma_wait3A_102 = tpu.memref_slice %arg10[%scan3A_83, %dma_wait3A_101] : memref<50x128xi32, #tpu.memory_space<vmem>> -> memref<1x128xi32, #tpu.memory_space<vmem>>
      %dma_wait3A_103 = tpu.memref_squeeze %dma_wait3A_102 : memref<1x128xi32, #tpu.memory_space<vmem>> -> memref<128xi32, #tpu.memory_space<vmem>>
      %dma_wait3A_104 = arith.constant 0 : i32
      %dma_wait3A_105 = arith.constant 0 : i32
      %dma_wait3A_106 = tpu.memref_slice %arg2[%dma_wait3A_104, %dma_wait3A_105] : memref<1000000x128xf32, #tpu.memory_space<hbm>> -> memref<1000000x128xf32, #tpu.memory_space<hbm>>
      tpu.wait_indirect_dma semaphore(%arg15 : memref<!tpu.dma_semaphore, #tpu.memory_space<semaphore_mem>>) src(%dma_wait3A_106 : memref<1000000x128xf32, #tpu.memory_space<hbm>>) dst(%dma_wait3A_100 : memref<128x128xf32, #tpu.memory_space<vmem>>)
      %scan3A_107 = arith.constant 0 : i32
      %scan3A_108 = arith.constant 0 : i32
      %scan3A_109 = arith.constant 8 : i32
      %scan3A_110 = arith.addi %scan3A_108, %scan3A_109 : i32
      %scan3A_111 = arith.constant 1 : i32
      scf.for %scan3A_116 = %scan3A_108 to %scan3A_110 step %scan3A_111  : i32 {
        %mul3A_117 = arith.constant 16 : i32
        %mul3A_118 = arith.muli %mul3A_117, %scan3A_116 : i32
        %get3A = arith.index_cast %scan3A_83 : i32 to index
        %get3A_119 = arith.index_cast %mul3A_118 : i32 to index
        %get3A_120 = tpu.vector_load %arg13[%get3A, %get3A_119] {strides = array<i32>} : memref<50x128xf32, #tpu.memory_space<vmem>>, vector<16xf32>,
        %mul3A_121 = arith.constant 16 : i32
        %mul3A_122 = arith.muli %mul3A_121, %scan3A_116 : i32
        %iota3A = tpu.iota {dimensions = array<i32: 0>} : vector<16xi32>
        %add3A_123 = vector.broadcast %mul3A_122 : i32 to vector<16xi32>
        %add3A_124 = arith.addi %add3A_123, %iota3A : vector<16xi32>
        %broadcast_in_dim3A = arith.constant 64 : i32
        %broadcast_in_dim3A_125 = vector.broadcast %broadcast_in_dim3A : i32 to vector<16xi32>
        %scatter3A = arith.constant 0 : i32
        %scatter3A_126 = arith.constant 0 : i32
        %scatter3A_127 = tpu.memref_slice %arg14[%rem3A_85, %scatter3A, %scatter3A_126] : memref<2x128x128xf32, #tpu.memory_space<vmem>> -> memref<1x128x128xf32, #tpu.memory_space<vmem>>
        %scatter3A_128 = tpu.memref_squeeze %scatter3A_127 : memref<1x128x128xf32, #tpu.memory_space<vmem>> -> memref<128x128xf32, #tpu.memory_space<vmem>>
        tpu.vector_store_idx %scatter3A_128[%add3A_124, %broadcast_in_dim3A_125], %get3A_120 : memref<128x128xf32, #tpu.memory_space<vmem>>[vector<16xi32>, vector<16xi32>], vector<16xf32>,
      }
      %scan3A_112 = arith.constant 8 : i32
      %mul3A_113 = arith.constant 128 : i32
      %mul3A_114 = arith.muli %scan3A_83, %mul3A_113 : i32
      %add3A_115 = arith.addi %mul3A_4, %mul3A_114 : i32
      "tpu.region"() ({
        %run_scoped3A = tpu.sem_alloc : memref<!tpu.dma_semaphore, #tpu.memory_space<semaphore_mem>>
        %dma_start3A_116 = arith.constant 0 : i32
        %dma_start3A_117 = arith.constant 0 : i32
        %dma_start3A_118 = tpu.memref_slice %arg14[%rem3A_85, %dma_start3A_116, %dma_start3A_117] : memref<2x128x128xf32, #tpu.memory_space<vmem>> -> memref<1x128x128xf32, #tpu.memory_space<vmem>>
        %dma_start3A_119 = tpu.memref_squeeze %dma_start3A_118 : memref<1x128x128xf32, #tpu.memory_space<vmem>> -> memref<128x128xf32, #tpu.memory_space<vmem>>
        %dma_start3A_120 = arith.constant 0 : i32
        %dma_start3A_121 = tpu.memref_slice %arg7[%add3A_115, %dma_start3A_120] : memref<204800x128xf32, #tpu.memory_space<hbm>> -> memref<128x128xf32, #tpu.memory_space<hbm>>
        %dma_start3A_122 = arith.constant 0 : i32
        %dma_start3A_123 = tpu.memref_slice %arg7[%add3A_115, %dma_start3A_122] : memref<204800x128xf32, #tpu.memory_space<hbm>> -> memref<128x128xf32, #tpu.memory_space<hbm>>
        %dma_start3A_124 = arith.constant 0 : i32
        %dma_start3A_125 = arith.constant 0 : i32
        %dma_start3A_126 = tpu.memref_slice %arg14[%rem3A_85, %dma_start3A_124, %dma_start3A_125] : memref<2x128x128xf32, #tpu.memory_space<vmem>> -> memref<1x128x128xf32, #tpu.memory_space<vmem>>
        %dma_start3A_127 = tpu.memref_squeeze %dma_start3A_126 : memref<1x128x128xf32, #tpu.memory_space<vmem>> -> memref<128x128xf32, #tpu.memory_space<vmem>>
        tpu.enqueue_dma source(%dma_start3A_127 : memref<128x128xf32, #tpu.memory_space<vmem>>) target(%dma_start3A_123 : memref<128x128xf32, #tpu.memory_space<hbm>>) target_semaphore(%run_scoped3A : memref<!tpu.dma_semaphore, #tpu.memory_space<semaphore_mem>>)
        %dma_wait3A_128 = arith.constant 0 : i32
        %dma_wait3A_129 = arith.constant 0 : i32
        %dma_wait3A_130 = tpu.memref_slice %arg14[%rem3A_85, %dma_wait3A_128, %dma_wait3A_129] : memref<2x128x128xf32, #tpu.memory_space<vmem>> -> memref<1x128x128xf32, #tpu.memory_space<vmem>>
        %dma_wait3A_131 = tpu.memref_squeeze %dma_wait3A_130 : memref<1x128x128xf32, #tpu.memory_space<vmem>> -> memref<128x128xf32, #tpu.memory_space<vmem>>
        %dma_wait3A_132 = arith.constant 0 : i32
        %dma_wait3A_133 = tpu.memref_slice %arg7[%add3A_115, %dma_wait3A_132] : memref<204800x128xf32, #tpu.memory_space<hbm>> -> memref<128x128xf32, #tpu.memory_space<hbm>>
        %dma_wait3A_134 = arith.constant 0 : i32
        %dma_wait3A_135 = tpu.memref_slice %arg7[%add3A_115, %dma_wait3A_134] : memref<204800x128xf32, #tpu.memory_space<hbm>> -> memref<128x128xf32, #tpu.memory_space<hbm>>
        %dma_wait3A_136 = arith.constant 0 : i32
        %dma_wait3A_137 = arith.constant 0 : i32
        %dma_wait3A_138 = tpu.memref_slice %arg14[%rem3A_85, %dma_wait3A_136, %dma_wait3A_137] : memref<2x128x128xf32, #tpu.memory_space<vmem>> -> memref<1x128x128xf32, #tpu.memory_space<vmem>>
        %dma_wait3A_139 = tpu.memref_squeeze %dma_wait3A_138 : memref<1x128x128xf32, #tpu.memory_space<vmem>> -> memref<128x128xf32, #tpu.memory_space<vmem>>
        tpu.wait_dma2 semaphore(%run_scoped3A : memref<!tpu.dma_semaphore, #tpu.memory_space<semaphore_mem>>) src(%dma_wait3A_139 : memref<128x128xf32, #tpu.memory_space<vmem>>) dst(%dma_wait3A_135 : memref<128x128xf32, #tpu.memory_space<hbm>>)
        tpu.yield
      }) : () -> ()
    }
    %scan3A_20 = arith.constant 50 : i32
    "tpu.region"() ({
      %run_scoped3A = tpu.sem_alloc : memref<!tpu.dma_semaphore, #tpu.memory_space<semaphore_mem>>
      %dma_start3A_83 = arith.constant 0 : i32
      %dma_start3A_84 = arith.constant 0 : i32
      %dma_start3A_85 = tpu.memref_slice %arg4[%add3A, %dma_start3A_83, %dma_start3A_84] : memref<32x5x128xi32, #tpu.memory_space<hbm>> -> memref<1x5x128xi32, #tpu.memory_space<hbm>>
      %dma_start3A_86 = tpu.memref_squeeze %dma_start3A_85 : memref<1x5x128xi32, #tpu.memory_space<hbm>> -> memref<5x128xi32, #tpu.memory_space<hbm>>
      %dma_start3A_87 = arith.constant 0 : i32
      %dma_start3A_88 = arith.constant 0 : i32
      %dma_start3A_89 = tpu.memref_slice %arg4[%add3A, %dma_start3A_87, %dma_start3A_88] : memref<32x5x128xi32, #tpu.memory_space<hbm>> -> memref<1x5x128xi32, #tpu.memory_space<hbm>>
      %dma_start3A_90 = tpu.memref_squeeze %dma_start3A_89 : memref<1x5x128xi32, #tpu.memory_space<hbm>> -> memref<5x128xi32, #tpu.memory_space<hbm>>
      tpu.enqueue_dma source(%dma_start3A_90 : memref<5x128xi32, #tpu.memory_space<hbm>>) target(%arg11 : memref<5x128xi32, #tpu.memory_space<vmem>>) target_semaphore(%run_scoped3A : memref<!tpu.dma_semaphore, #tpu.memory_space<semaphore_mem>>)
      %dma_wait3A_91 = arith.constant 0 : i32
      %dma_wait3A_92 = arith.constant 0 : i32
      %dma_wait3A_93 = tpu.memref_slice %arg4[%add3A, %dma_wait3A_91, %dma_wait3A_92] : memref<32x5x128xi32, #tpu.memory_space<hbm>> -> memref<1x5x128xi32, #tpu.memory_space<hbm>>
      %dma_wait3A_94 = tpu.memref_squeeze %dma_wait3A_93 : memref<1x5x128xi32, #tpu.memory_space<hbm>> -> memref<5x128xi32, #tpu.memory_space<hbm>>
      %dma_wait3A_95 = arith.constant 0 : i32
      %dma_wait3A_96 = arith.constant 0 : i32
      %dma_wait3A_97 = tpu.memref_slice %arg4[%add3A, %dma_wait3A_95, %dma_wait3A_96] : memref<32x5x128xi32, #tpu.memory_space<hbm>> -> memref<1x5x128xi32, #tpu.memory_space<hbm>>
      %dma_wait3A_98 = tpu.memref_squeeze %dma_wait3A_97 : memref<1x5x128xi32, #tpu.memory_space<hbm>> -> memref<5x128xi32, #tpu.memory_space<hbm>>
      tpu.wait_dma2 semaphore(%run_scoped3A : memref<!tpu.dma_semaphore, #tpu.memory_space<semaphore_mem>>) src(%dma_wait3A_98 : memref<5x128xi32, #tpu.memory_space<hbm>>) dst(%arg11 : memref<5x128xi32, #tpu.memory_space<vmem>>)
      tpu.yield
    }) : () -> ()
    %mul3A_21 = arith.constant 5 : i32
    %mul3A_22 = arith.muli %add3A, %mul3A_21 : i32
    %mul3A_23 = arith.constant 128 : i32
    %mul3A_24 = arith.muli %mul3A_22, %mul3A_23 : i32
    %dma_start3A_25 = arith.constant 0 : i32
    %dma_start3A_26 = arith.constant 0 : i32
    %dma_start3A_27 = arith.constant 0 : i32
    %dma_start3A_28 = arith.constant 0 : i32
    %dma_start3A_29 = tpu.memref_slice %arg14[%dma_start3A_26, %dma_start3A_27, %dma_start3A_28] : memref<2x128x128xf32, #tpu.memory_space<vmem>> -> memref<1x128x128xf32, #tpu.memory_space<vmem>>
    %dma_start3A_30 = tpu.memref_squeeze %dma_start3A_29 : memref<1x128x128xf32, #tpu.memory_space<vmem>> -> memref<128x128xf32, #tpu.memory_space<vmem>>
    %dma_start3A_31 = arith.constant 0 : i32
    %dma_start3A_32 = tpu.memref_slice %arg11[%dma_start3A_25, %dma_start3A_31] : memref<5x128xi32, #tpu.memory_space<vmem>> -> memref<1x128xi32, #tpu.memory_space<vmem>>
    %dma_start3A_33 = tpu.memref_squeeze %dma_start3A_32 : memref<1x128xi32, #tpu.memory_space<vmem>> -> memref<128xi32, #tpu.memory_space<vmem>>
    %dma_start3A_34 = arith.constant 0 : i32
    %dma_start3A_35 = arith.constant 0 : i32
    %dma_start3A_36 = tpu.memref_slice %arg2[%dma_start3A_34, %dma_start3A_35] : memref<1000000x128xf32, #tpu.memory_space<hbm>> -> memref<1000000x128xf32, #tpu.memory_space<hbm>>
    tpu.enqueue_indirect_dma source(%dma_start3A_36 : memref<1000000x128xf32, #tpu.memory_space<hbm>>) target(%dma_start3A_30 : memref<128x128xf32, #tpu.memory_space<vmem>>) offsets(%dma_start3A_33 : memref<128xi32, #tpu.memory_space<vmem>>) semaphore(%arg15 : memref<!tpu.dma_semaphore, #tpu.memory_space<semaphore_mem>>)
    %scan3A_37 = arith.constant 0 : i32
    %scan3A_38 = arith.constant 0 : i32
    %scan3A_39 = arith.constant 5 : i32
    %scan3A_40 = arith.addi %scan3A_38, %scan3A_39 : i32
    %scan3A_41 = arith.constant 1 : i32
    scf.for %scan3A_83 = %scan3A_38 to %scan3A_40 step %scan3A_41  : i32 {
      %rem3A_84 = arith.constant 2 : i32
      %rem3A_85 = arith.remsi %scan3A_83, %rem3A_84 : i32
      %add3A_86 = arith.constant 1 : i32
      %add3A_87 = arith.addi %scan3A_83, %add3A_86 : i32
      %rem3A_88 = arith.constant 2 : i32
      %rem3A_89 = arith.remsi %add3A_87, %rem3A_88 : i32
      %add3A_90 = arith.constant 1 : i32
      %add3A_91 = arith.addi %scan3A_83, %add3A_90 : i32
      %lt3A_92 = arith.constant 5 : i32
      %lt3A_93 = arith.cmpi slt, %add3A_91, %lt3A_92 : i32
      %convert_element_type3A_94 = arith.extui %lt3A_93 : i1 to i32
      %cond3A_95 = arith.constant 0 : i32
      %cond3A_96 = arith.cmpi ne, %convert_element_type3A_94, %cond3A_95 : i32
      scf.if %cond3A_96 {
        %add3A_110 = arith.constant 1 : i32
        %add3A_111 = arith.addi %scan3A_83, %add3A_110 : i32
        %dma_start3A_112 = arith.constant 0 : i32
        %dma_start3A_113 = arith.constant 0 : i32
        %dma_start3A_114 = tpu.memref_slice %arg14[%rem3A_89, %dma_start3A_112, %dma_start3A_113] : memref<2x128x128xf32, #tpu.memory_space<vmem>> -> memref<1x128x128xf32, #tpu.memory_space<vmem>>
        %dma_start3A_115 = tpu.memref_squeeze %dma_start3A_114 : memref<1x128x128xf32, #tpu.memory_space<vmem>> -> memref<128x128xf32, #tpu.memory_space<vmem>>
        %dma_start3A_116 = arith.constant 0 : i32
        %dma_start3A_117 = tpu.memref_slice %arg11[%add3A_111, %dma_start3A_116] : memref<5x128xi32, #tpu.memory_space<vmem>> -> memref<1x128xi32, #tpu.memory_space<vmem>>
        %dma_start3A_118 = tpu.memref_squeeze %dma_start3A_117 : memref<1x128xi32, #tpu.memory_space<vmem>> -> memref<128xi32, #tpu.memory_space<vmem>>
        %dma_start3A_119 = arith.constant 0 : i32
        %dma_start3A_120 = arith.constant 0 : i32
        %dma_start3A_121 = tpu.memref_slice %arg2[%dma_start3A_119, %dma_start3A_120] : memref<1000000x128xf32, #tpu.memory_space<hbm>> -> memref<1000000x128xf32, #tpu.memory_space<hbm>>
        tpu.enqueue_indirect_dma source(%dma_start3A_121 : memref<1000000x128xf32, #tpu.memory_space<hbm>>) target(%dma_start3A_115 : memref<128x128xf32, #tpu.memory_space<vmem>>) offsets(%dma_start3A_118 : memref<128xi32, #tpu.memory_space<vmem>>) semaphore(%arg15 : memref<!tpu.dma_semaphore, #tpu.memory_space<semaphore_mem>>)
      } else {
      }
      %dma_wait3A_97 = arith.constant 0 : i32
      %dma_wait3A_98 = arith.constant 0 : i32
      %dma_wait3A_99 = tpu.memref_slice %arg14[%rem3A_85, %dma_wait3A_97, %dma_wait3A_98] : memref<2x128x128xf32, #tpu.memory_space<vmem>> -> memref<1x128x128xf32, #tpu.memory_space<vmem>>
      %dma_wait3A_100 = tpu.memref_squeeze %dma_wait3A_99 : memref<1x128x128xf32, #tpu.memory_space<vmem>> -> memref<128x128xf32, #tpu.memory_space<vmem>>
      %dma_wait3A_101 = arith.constant 0 : i32
      %dma_wait3A_102 = tpu.memref_slice %arg11[%scan3A_83, %dma_wait3A_101] : memref<5x128xi32, #tpu.memory_space<vmem>> -> memref<1x128xi32, #tpu.memory_space<vmem>>
      %dma_wait3A_103 = tpu.memref_squeeze %dma_wait3A_102 : memref<1x128xi32, #tpu.memory_space<vmem>> -> memref<128xi32, #tpu.memory_space<vmem>>
      %dma_wait3A_104 = arith.constant 0 : i32
      %dma_wait3A_105 = arith.constant 0 : i32
      %dma_wait3A_106 = tpu.memref_slice %arg2[%dma_wait3A_104, %dma_wait3A_105] : memref<1000000x128xf32, #tpu.memory_space<hbm>> -> memref<1000000x128xf32, #tpu.memory_space<hbm>>
      tpu.wait_indirect_dma semaphore(%arg15 : memref<!tpu.dma_semaphore, #tpu.memory_space<semaphore_mem>>) src(%dma_wait3A_106 : memref<1000000x128xf32, #tpu.memory_space<hbm>>) dst(%dma_wait3A_100 : memref<128x128xf32, #tpu.memory_space<vmem>>)
      %mul3A_107 = arith.constant 128 : i32
      %mul3A_108 = arith.muli %scan3A_83, %mul3A_107 : i32
      %add3A_109 = arith.addi %mul3A_24, %mul3A_108 : i32
      "tpu.region"() ({
        %run_scoped3A = tpu.sem_alloc : memref<!tpu.dma_semaphore, #tpu.memory_space<semaphore_mem>>
        %dma_start3A_110 = arith.constant 0 : i32
        %dma_start3A_111 = arith.constant 0 : i32
        %dma_start3A_112 = tpu.memref_slice %arg14[%rem3A_85, %dma_start3A_110, %dma_start3A_111] : memref<2x128x128xf32, #tpu.memory_space<vmem>> -> memref<1x128x128xf32, #tpu.memory_space<vmem>>
        %dma_start3A_113 = tpu.memref_squeeze %dma_start3A_112 : memref<1x128x128xf32, #tpu.memory_space<vmem>> -> memref<128x128xf32, #tpu.memory_space<vmem>>
        %dma_start3A_114 = arith.constant 0 : i32
        %dma_start3A_115 = tpu.memref_slice %arg8[%add3A_109, %dma_start3A_114] : memref<20480x128xf32, #tpu.memory_space<hbm>> -> memref<128x128xf32, #tpu.memory_space<hbm>>
        %dma_start3A_116 = arith.constant 0 : i32
        %dma_start3A_117 = tpu.memref_slice %arg8[%add3A_109, %dma_start3A_116] : memref<20480x128xf32, #tpu.memory_space<hbm>> -> memref<128x128xf32, #tpu.memory_space<hbm>>
        %dma_start3A_118 = arith.constant 0 : i32
        %dma_start3A_119 = arith.constant 0 : i32
        %dma_start3A_120 = tpu.memref_slice %arg14[%rem3A_85, %dma_start3A_118, %dma_start3A_119] : memref<2x128x128xf32, #tpu.memory_space<vmem>> -> memref<1x128x128xf32, #tpu.memory_space<vmem>>
        %dma_start3A_121 = tpu.memref_squeeze %dma_start3A_120 : memref<1x128x128xf32, #tpu.memory_space<vmem>> -> memref<128x128xf32, #tpu.memory_space<vmem>>
        tpu.enqueue_dma source(%dma_start3A_121 : memref<128x128xf32, #tpu.memory_space<vmem>>) target(%dma_start3A_117 : memref<128x128xf32, #tpu.memory_space<hbm>>) target_semaphore(%run_scoped3A : memref<!tpu.dma_semaphore, #tpu.memory_space<semaphore_mem>>)
        %dma_wait3A_122 = arith.constant 0 : i32
        %dma_wait3A_123 = arith.constant 0 : i32
        %dma_wait3A_124 = tpu.memref_slice %arg14[%rem3A_85, %dma_wait3A_122, %dma_wait3A_123] : memref<2x128x128xf32, #tpu.memory_space<vmem>> -> memref<1x128x128xf32, #tpu.memory_space<vmem>>
        %dma_wait3A_125 = tpu.memref_squeeze %dma_wait3A_124 : memref<1x128x128xf32, #tpu.memory_space<vmem>> -> memref<128x128xf32, #tpu.memory_space<vmem>>
        %dma_wait3A_126 = arith.constant 0 : i32
        %dma_wait3A_127 = tpu.memref_slice %arg8[%add3A_109, %dma_wait3A_126] : memref<20480x128xf32, #tpu.memory_space<hbm>> -> memref<128x128xf32, #tpu.memory_space<hbm>>
        %dma_wait3A_128 = arith.constant 0 : i32
        %dma_wait3A_129 = tpu.memref_slice %arg8[%add3A_109, %dma_wait3A_128] : memref<20480x128xf32, #tpu.memory_space<hbm>> -> memref<128x128xf32, #tpu.memory_space<hbm>>
        %dma_wait3A_130 = arith.constant 0 : i32
        %dma_wait3A_131 = arith.constant 0 : i32
        %dma_wait3A_132 = tpu.memref_slice %arg14[%rem3A_85, %dma_wait3A_130, %dma_wait3A_131] : memref<2x128x128xf32, #tpu.memory_space<vmem>> -> memref<1x128x128xf32, #tpu.memory_space<vmem>>
        %dma_wait3A_133 = tpu.memref_squeeze %dma_wait3A_132 : memref<1x128x128xf32, #tpu.memory_space<vmem>> -> memref<128x128xf32, #tpu.memory_space<vmem>>
        tpu.wait_dma2 semaphore(%run_scoped3A : memref<!tpu.dma_semaphore, #tpu.memory_space<semaphore_mem>>) src(%dma_wait3A_133 : memref<128x128xf32, #tpu.memory_space<vmem>>) dst(%dma_wait3A_129 : memref<128x128xf32, #tpu.memory_space<hbm>>)
        tpu.yield
      }) : () -> ()
    }
    %scan3A_42 = arith.constant 5 : i32
    "tpu.region"() ({
      %run_scoped3A = tpu.sem_alloc : memref<!tpu.dma_semaphore, #tpu.memory_space<semaphore_mem>>
      %dma_start3A_83 = arith.constant 0 : i32
      %dma_start3A_84 = arith.constant 0 : i32
      %dma_start3A_85 = tpu.memref_slice %arg5[%add3A, %dma_start3A_83, %dma_start3A_84] : memref<32x1x128xi32, #tpu.memory_space<hbm>> -> memref<1x1x128xi32, #tpu.memory_space<hbm>>
      %dma_start3A_86 = tpu.memref_squeeze %dma_start3A_85 : memref<1x1x128xi32, #tpu.memory_space<hbm>> -> memref<1x128xi32, #tpu.memory_space<hbm>>
      %dma_start3A_87 = arith.constant 0 : i32
      %dma_start3A_88 = arith.constant 0 : i32
      %dma_start3A_89 = tpu.memref_slice %arg5[%add3A, %dma_start3A_87, %dma_start3A_88] : memref<32x1x128xi32, #tpu.memory_space<hbm>> -> memref<1x1x128xi32, #tpu.memory_space<hbm>>
      %dma_start3A_90 = tpu.memref_squeeze %dma_start3A_89 : memref<1x1x128xi32, #tpu.memory_space<hbm>> -> memref<1x128xi32, #tpu.memory_space<hbm>>
      tpu.enqueue_dma source(%dma_start3A_90 : memref<1x128xi32, #tpu.memory_space<hbm>>) target(%arg12 : memref<1x128xi32, #tpu.memory_space<vmem>>) target_semaphore(%run_scoped3A : memref<!tpu.dma_semaphore, #tpu.memory_space<semaphore_mem>>)
      %dma_wait3A_91 = arith.constant 0 : i32
      %dma_wait3A_92 = arith.constant 0 : i32
      %dma_wait3A_93 = tpu.memref_slice %arg5[%add3A, %dma_wait3A_91, %dma_wait3A_92] : memref<32x1x128xi32, #tpu.memory_space<hbm>> -> memref<1x1x128xi32, #tpu.memory_space<hbm>>
      %dma_wait3A_94 = tpu.memref_squeeze %dma_wait3A_93 : memref<1x1x128xi32, #tpu.memory_space<hbm>> -> memref<1x128xi32, #tpu.memory_space<hbm>>
      %dma_wait3A_95 = arith.constant 0 : i32
      %dma_wait3A_96 = arith.constant 0 : i32
      %dma_wait3A_97 = tpu.memref_slice %arg5[%add3A, %dma_wait3A_95, %dma_wait3A_96] : memref<32x1x128xi32, #tpu.memory_space<hbm>> -> memref<1x1x128xi32, #tpu.memory_space<hbm>>
      %dma_wait3A_98 = tpu.memref_squeeze %dma_wait3A_97 : memref<1x1x128xi32, #tpu.memory_space<hbm>> -> memref<1x128xi32, #tpu.memory_space<hbm>>
      tpu.wait_dma2 semaphore(%run_scoped3A : memref<!tpu.dma_semaphore, #tpu.memory_space<semaphore_mem>>) src(%dma_wait3A_98 : memref<1x128xi32, #tpu.memory_space<hbm>>) dst(%arg12 : memref<1x128xi32, #tpu.memory_space<vmem>>)
      tpu.yield
    }) : () -> ()
    %mul3A_43 = arith.constant 1 : i32
    %mul3A_44 = arith.muli %add3A, %mul3A_43 : i32
    %mul3A_45 = arith.constant 128 : i32
    %mul3A_46 = arith.muli %mul3A_44, %mul3A_45 : i32
    %dma_start3A_47 = arith.constant 0 : i32
    %dma_start3A_48 = arith.constant 0 : i32
    %dma_start3A_49 = arith.constant 0 : i32
    %dma_start3A_50 = arith.constant 0 : i32
    %dma_start3A_51 = tpu.memref_slice %arg14[%dma_start3A_48, %dma_start3A_49, %dma_start3A_50] : memref<2x128x128xf32, #tpu.memory_space<vmem>> -> memref<1x128x128xf32, #tpu.memory_space<vmem>>
    %dma_start3A_52 = tpu.memref_squeeze %dma_start3A_51 : memref<1x128x128xf32, #tpu.memory_space<vmem>> -> memref<128x128xf32, #tpu.memory_space<vmem>>
    %dma_start3A_53 = arith.constant 0 : i32
    %dma_start3A_54 = tpu.memref_slice %arg12[%dma_start3A_47, %dma_start3A_53] : memref<1x128xi32, #tpu.memory_space<vmem>> -> memref<1x128xi32, #tpu.memory_space<vmem>>
    %dma_start3A_55 = tpu.memref_squeeze %dma_start3A_54 : memref<1x128xi32, #tpu.memory_space<vmem>> -> memref<128xi32, #tpu.memory_space<vmem>>
    %dma_start3A_56 = arith.constant 0 : i32
    %dma_start3A_57 = arith.constant 0 : i32
    %dma_start3A_58 = tpu.memref_slice %arg2[%dma_start3A_56, %dma_start3A_57] : memref<1000000x128xf32, #tpu.memory_space<hbm>> -> memref<1000000x128xf32, #tpu.memory_space<hbm>>
    tpu.enqueue_indirect_dma source(%dma_start3A_58 : memref<1000000x128xf32, #tpu.memory_space<hbm>>) target(%dma_start3A_52 : memref<128x128xf32, #tpu.memory_space<vmem>>) offsets(%dma_start3A_55 : memref<128xi32, #tpu.memory_space<vmem>>) semaphore(%arg15 : memref<!tpu.dma_semaphore, #tpu.memory_space<semaphore_mem>>)
    %scan3A_59 = arith.constant 0 : i32
    %scan3A_60 = arith.constant 0 : i32
    %rem3A = arith.constant 2 : i32
    %rem3A_61 = arith.remsi %scan3A_60, %rem3A : i32
    %add3A_62 = arith.constant 1 : i32
    %add3A_63 = arith.addi %scan3A_60, %add3A_62 : i32
    %rem3A_64 = arith.constant 2 : i32
    %rem3A_65 = arith.remsi %add3A_63, %rem3A_64 : i32
    %add3A_66 = arith.constant 1 : i32
    %add3A_67 = arith.addi %scan3A_60, %add3A_66 : i32
    %lt3A = arith.constant 1 : i32
    %lt3A_68 = arith.cmpi slt, %add3A_67, %lt3A : i32
    %convert_element_type3A = arith.extui %lt3A_68 : i1 to i32
    %cond3A = arith.constant 0 : i32
    %cond3A_69 = arith.cmpi ne, %convert_element_type3A, %cond3A : i32
    scf.if %cond3A_69 {
      %add3A_83 = arith.constant 1 : i32
      %add3A_84 = arith.addi %scan3A_60, %add3A_83 : i32
      %dma_start3A_85 = arith.constant 0 : i32
      %dma_start3A_86 = arith.constant 0 : i32
      %dma_start3A_87 = tpu.memref_slice %arg14[%rem3A_65, %dma_start3A_85, %dma_start3A_86] : memref<2x128x128xf32, #tpu.memory_space<vmem>> -> memref<1x128x128xf32, #tpu.memory_space<vmem>>
      %dma_start3A_88 = tpu.memref_squeeze %dma_start3A_87 : memref<1x128x128xf32, #tpu.memory_space<vmem>> -> memref<128x128xf32, #tpu.memory_space<vmem>>
      %dma_start3A_89 = arith.constant 0 : i32
      %dma_start3A_90 = tpu.memref_slice %arg12[%add3A_84, %dma_start3A_89] : memref<1x128xi32, #tpu.memory_space<vmem>> -> memref<1x128xi32, #tpu.memory_space<vmem>>
      %dma_start3A_91 = tpu.memref_squeeze %dma_start3A_90 : memref<1x128xi32, #tpu.memory_space<vmem>> -> memref<128xi32, #tpu.memory_space<vmem>>
      %dma_start3A_92 = arith.constant 0 : i32
      %dma_start3A_93 = arith.constant 0 : i32
      %dma_start3A_94 = tpu.memref_slice %arg2[%dma_start3A_92, %dma_start3A_93] : memref<1000000x128xf32, #tpu.memory_space<hbm>> -> memref<1000000x128xf32, #tpu.memory_space<hbm>>
      tpu.enqueue_indirect_dma source(%dma_start3A_94 : memref<1000000x128xf32, #tpu.memory_space<hbm>>) target(%dma_start3A_88 : memref<128x128xf32, #tpu.memory_space<vmem>>) offsets(%dma_start3A_91 : memref<128xi32, #tpu.memory_space<vmem>>) semaphore(%arg15 : memref<!tpu.dma_semaphore, #tpu.memory_space<semaphore_mem>>)
    } else {
    }
    %dma_wait3A = arith.constant 0 : i32
    %dma_wait3A_70 = arith.constant 0 : i32
    %dma_wait3A_71 = tpu.memref_slice %arg14[%rem3A_61, %dma_wait3A, %dma_wait3A_70] : memref<2x128x128xf32, #tpu.memory_space<vmem>> -> memref<1x128x128xf32, #tpu.memory_space<vmem>>
    %dma_wait3A_72 = tpu.memref_squeeze %dma_wait3A_71 : memref<1x128x128xf32, #tpu.memory_space<vmem>> -> memref<128x128xf32, #tpu.memory_space<vmem>>
    %dma_wait3A_73 = arith.constant 0 : i32
    %dma_wait3A_74 = tpu.memref_slice %arg12[%scan3A_60, %dma_wait3A_73] : memref<1x128xi32, #tpu.memory_space<vmem>> -> memref<1x128xi32, #tpu.memory_space<vmem>>
    %dma_wait3A_75 = tpu.memref_squeeze %dma_wait3A_74 : memref<1x128xi32, #tpu.memory_space<vmem>> -> memref<128xi32, #tpu.memory_space<vmem>>
    %dma_wait3A_76 = arith.constant 0 : i32
    %dma_wait3A_77 = arith.constant 0 : i32
    %dma_wait3A_78 = tpu.memref_slice %arg2[%dma_wait3A_76, %dma_wait3A_77] : memref<1000000x128xf32, #tpu.memory_space<hbm>> -> memref<1000000x128xf32, #tpu.memory_space<hbm>>
    tpu.wait_indirect_dma semaphore(%arg15 : memref<!tpu.dma_semaphore, #tpu.memory_space<semaphore_mem>>) src(%dma_wait3A_78 : memref<1000000x128xf32, #tpu.memory_space<hbm>>) dst(%dma_wait3A_72 : memref<128x128xf32, #tpu.memory_space<vmem>>)
    %mul3A_79 = arith.constant 128 : i32
    %mul3A_80 = arith.muli %scan3A_60, %mul3A_79 : i32
    %add3A_81 = arith.addi %mul3A_46, %mul3A_80 : i32
    "tpu.region"() ({
      %run_scoped3A = tpu.sem_alloc : memref<!tpu.dma_semaphore, #tpu.memory_space<semaphore_mem>>
      %dma_start3A_83 = arith.constant 0 : i32
      %dma_start3A_84 = arith.constant 0 : i32
      %dma_start3A_85 = tpu.memref_slice %arg14[%rem3A_61, %dma_start3A_83, %dma_start3A_84] : memref<2x128x128xf32, #tpu.memory_space<vmem>> -> memref<1x128x128xf32, #tpu.memory_space<vmem>>
      %dma_start3A_86 = tpu.memref_squeeze %dma_start3A_85 : memref<1x128x128xf32, #tpu.memory_space<vmem>> -> memref<128x128xf32, #tpu.memory_space<vmem>>
      %dma_start3A_87 = arith.constant 0 : i32
      %dma_start3A_88 = tpu.memref_slice %arg9[%add3A_81, %dma_start3A_87] : memref<4096x128xf32, #tpu.memory_space<hbm>> -> memref<128x128xf32, #tpu.memory_space<hbm>>
      %dma_start3A_89 = arith.constant 0 : i32
      %dma_start3A_90 = tpu.memref_slice %arg9[%add3A_81, %dma_start3A_89] : memref<4096x128xf32, #tpu.memory_space<hbm>> -> memref<128x128xf32, #tpu.memory_space<hbm>>
      %dma_start3A_91 = arith.constant 0 : i32
      %dma_start3A_92 = arith.constant 0 : i32
      %dma_start3A_93 = tpu.memref_slice %arg14[%rem3A_61, %dma_start3A_91, %dma_start3A_92] : memref<2x128x128xf32, #tpu.memory_space<vmem>> -> memref<1x128x128xf32, #tpu.memory_space<vmem>>
      %dma_start3A_94 = tpu.memref_squeeze %dma_start3A_93 : memref<1x128x128xf32, #tpu.memory_space<vmem>> -> memref<128x128xf32, #tpu.memory_space<vmem>>
      tpu.enqueue_dma source(%dma_start3A_94 : memref<128x128xf32, #tpu.memory_space<vmem>>) target(%dma_start3A_90 : memref<128x128xf32, #tpu.memory_space<hbm>>) target_semaphore(%run_scoped3A : memref<!tpu.dma_semaphore, #tpu.memory_space<semaphore_mem>>)
      %dma_wait3A_95 = arith.constant 0 : i32
      %dma_wait3A_96 = arith.constant 0 : i32
      %dma_wait3A_97 = tpu.memref_slice %arg14[%rem3A_61, %dma_wait3A_95, %dma_wait3A_96] : memref<2x128x128xf32, #tpu.memory_space<vmem>> -> memref<1x128x128xf32, #tpu.memory_space<vmem>>
      %dma_wait3A_98 = tpu.memref_squeeze %dma_wait3A_97 : memref<1x128x128xf32, #tpu.memory_space<vmem>> -> memref<128x128xf32, #tpu.memory_space<vmem>>
      %dma_wait3A_99 = arith.constant 0 : i32
      %dma_wait3A_100 = tpu.memref_slice %arg9[%add3A_81, %dma_wait3A_99] : memref<4096x128xf32, #tpu.memory_space<hbm>> -> memref<128x128xf32, #tpu.memory_space<hbm>>
      %dma_wait3A_101 = arith.constant 0 : i32
      %dma_wait3A_102 = tpu.memref_slice %arg9[%add3A_81, %dma_wait3A_101] : memref<4096x128xf32, #tpu.memory_space<hbm>> -> memref<128x128xf32, #tpu.memory_space<hbm>>
      %dma_wait3A_103 = arith.constant 0 : i32
      %dma_wait3A_104 = arith.constant 0 : i32
      %dma_wait3A_105 = tpu.memref_slice %arg14[%rem3A_61, %dma_wait3A_103, %dma_wait3A_104] : memref<2x128x128xf32, #tpu.memory_space<vmem>> -> memref<1x128x128xf32, #tpu.memory_space<vmem>>
      %dma_wait3A_106 = tpu.memref_squeeze %dma_wait3A_105 : memref<1x128x128xf32, #tpu.memory_space<vmem>> -> memref<128x128xf32, #tpu.memory_space<vmem>>
      tpu.wait_dma2 semaphore(%run_scoped3A : memref<!tpu.dma_semaphore, #tpu.memory_space<semaphore_mem>>) src(%dma_wait3A_106 : memref<128x128xf32, #tpu.memory_space<vmem>>) dst(%dma_wait3A_102 : memref<128x128xf32, #tpu.memory_space<hbm>>)
      tpu.yield
    }) : () -> ()
    %scan3A_82 = arith.constant 1 : i32
    return
  }
}

#map = affine_map<(d0, d1) -> (0, 0)>
#map1 = affine_map<(d0, d1) -> (0, 0, 0)>
module attributes {stable_mosaic.version = 14 : i64} {
  func.func @gather_kernel(%arg0: i32, %arg1: i32, %arg2: memref<1000000x128xf32, #tpu.memory_space<hbm>>, %arg3: memref<32x50x128xi32, #tpu.memory_space<hbm>>, %arg4: memref<32x5x128xi32, #tpu.memory_space<hbm>>, %arg5: memref<32x50x128xf32, #tpu.memory_space<hbm>>, %arg6: memref<204800x128xf32, #tpu.memory_space<hbm>>, %arg7: memref<20480x128xf32, #tpu.memory_space<hbm>>, %arg8: memref<50x128xi32, #tpu.memory_space<vmem>>, %arg9: memref<5x128xi32, #tpu.memory_space<vmem>>, %arg10: memref<50x128xf32, #tpu.memory_space<vmem>>, %arg11: memref<2x128x128xf32, #tpu.memory_space<vmem>>, %arg12: memref<!tpu.dma_semaphore, #tpu.memory_space<semaphore_mem>>) attributes {dimension_semantics = [#tpu.dimension_semantics<core_parallel>, #tpu.dimension_semantics<subcore_parallel>], iteration_bounds = array<i64: 2, 16>, scalar_prefetch = 0 : i64, scratch_operands = 5 : i64, tpu.core_type = #tpu.core_type<sc_vector_subcore>, window_params = [{transform_indices = #map}, {transform_indices = #map1}, {transform_indices = #map1}, {transform_indices = #map1}, {transform_indices = #map}, {transform_indices = #map}]} {
    %mul3A = arith.constant 2 : i32
    %mul3A_0 = arith.muli %arg1, %mul3A : i32
    %add3A = arith.addi %mul3A_0, %arg0 : i32
    "tpu.region"() ({
      %run_scoped3A = tpu.sem_alloc : memref<!tpu.dma_semaphore, #tpu.memory_space<semaphore_mem>>
      %dma_start3A_43 = arith.constant 0 : i32
      %dma_start3A_44 = arith.constant 0 : i32
      %dma_start3A_45 = tpu.memref_slice %arg5[%add3A, %dma_start3A_43, %dma_start3A_44] : memref<32x50x128xf32, #tpu.memory_space<hbm>> -> memref<1x50x128xf32, #tpu.memory_space<hbm>>
      %dma_start3A_46 = tpu.memref_squeeze %dma_start3A_45 : memref<1x50x128xf32, #tpu.memory_space<hbm>> -> memref<50x128xf32, #tpu.memory_space<hbm>>
      %dma_start3A_47 = arith.constant 0 : i32
      %dma_start3A_48 = arith.constant 0 : i32
      %dma_start3A_49 = tpu.memref_slice %arg5[%add3A, %dma_start3A_47, %dma_start3A_48] : memref<32x50x128xf32, #tpu.memory_space<hbm>> -> memref<1x50x128xf32, #tpu.memory_space<hbm>>
      %dma_start3A_50 = tpu.memref_squeeze %dma_start3A_49 : memref<1x50x128xf32, #tpu.memory_space<hbm>> -> memref<50x128xf32, #tpu.memory_space<hbm>>
      tpu.enqueue_dma source(%dma_start3A_50 : memref<50x128xf32, #tpu.memory_space<hbm>>) target(%arg10 : memref<50x128xf32, #tpu.memory_space<vmem>>) target_semaphore(%run_scoped3A : memref<!tpu.dma_semaphore, #tpu.memory_space<semaphore_mem>>)
      %dma_wait3A = arith.constant 0 : i32
      %dma_wait3A_51 = arith.constant 0 : i32
      %dma_wait3A_52 = tpu.memref_slice %arg5[%add3A, %dma_wait3A, %dma_wait3A_51] : memref<32x50x128xf32, #tpu.memory_space<hbm>> -> memref<1x50x128xf32, #tpu.memory_space<hbm>>
      %dma_wait3A_53 = tpu.memref_squeeze %dma_wait3A_52 : memref<1x50x128xf32, #tpu.memory_space<hbm>> -> memref<50x128xf32, #tpu.memory_space<hbm>>
      %dma_wait3A_54 = arith.constant 0 : i32
      %dma_wait3A_55 = arith.constant 0 : i32
      %dma_wait3A_56 = tpu.memref_slice %arg5[%add3A, %dma_wait3A_54, %dma_wait3A_55] : memref<32x50x128xf32, #tpu.memory_space<hbm>> -> memref<1x50x128xf32, #tpu.memory_space<hbm>>
      %dma_wait3A_57 = tpu.memref_squeeze %dma_wait3A_56 : memref<1x50x128xf32, #tpu.memory_space<hbm>> -> memref<50x128xf32, #tpu.memory_space<hbm>>
      tpu.wait_dma2 semaphore(%run_scoped3A : memref<!tpu.dma_semaphore, #tpu.memory_space<semaphore_mem>>) src(%dma_wait3A_57 : memref<50x128xf32, #tpu.memory_space<hbm>>) dst(%arg10 : memref<50x128xf32, #tpu.memory_space<vmem>>)
      tpu.yield
    }) : () -> ()
    "tpu.region"() ({
      %run_scoped3A = tpu.sem_alloc : memref<!tpu.dma_semaphore, #tpu.memory_space<semaphore_mem>>
      %dma_start3A_43 = arith.constant 0 : i32
      %dma_start3A_44 = arith.constant 0 : i32
      %dma_start3A_45 = tpu.memref_slice %arg3[%add3A, %dma_start3A_43, %dma_start3A_44] : memref<32x50x128xi32, #tpu.memory_space<hbm>> -> memref<1x50x128xi32, #tpu.memory_space<hbm>>
      %dma_start3A_46 = tpu.memref_squeeze %dma_start3A_45 : memref<1x50x128xi32, #tpu.memory_space<hbm>> -> memref<50x128xi32, #tpu.memory_space<hbm>>
      %dma_start3A_47 = arith.constant 0 : i32
      %dma_start3A_48 = arith.constant 0 : i32
      %dma_start3A_49 = tpu.memref_slice %arg3[%add3A, %dma_start3A_47, %dma_start3A_48] : memref<32x50x128xi32, #tpu.memory_space<hbm>> -> memref<1x50x128xi32, #tpu.memory_space<hbm>>
      %dma_start3A_50 = tpu.memref_squeeze %dma_start3A_49 : memref<1x50x128xi32, #tpu.memory_space<hbm>> -> memref<50x128xi32, #tpu.memory_space<hbm>>
      tpu.enqueue_dma source(%dma_start3A_50 : memref<50x128xi32, #tpu.memory_space<hbm>>) target(%arg8 : memref<50x128xi32, #tpu.memory_space<vmem>>) target_semaphore(%run_scoped3A : memref<!tpu.dma_semaphore, #tpu.memory_space<semaphore_mem>>)
      %dma_wait3A = arith.constant 0 : i32
      %dma_wait3A_51 = arith.constant 0 : i32
      %dma_wait3A_52 = tpu.memref_slice %arg3[%add3A, %dma_wait3A, %dma_wait3A_51] : memref<32x50x128xi32, #tpu.memory_space<hbm>> -> memref<1x50x128xi32, #tpu.memory_space<hbm>>
      %dma_wait3A_53 = tpu.memref_squeeze %dma_wait3A_52 : memref<1x50x128xi32, #tpu.memory_space<hbm>> -> memref<50x128xi32, #tpu.memory_space<hbm>>
      %dma_wait3A_54 = arith.constant 0 : i32
      %dma_wait3A_55 = arith.constant 0 : i32
      %dma_wait3A_56 = tpu.memref_slice %arg3[%add3A, %dma_wait3A_54, %dma_wait3A_55] : memref<32x50x128xi32, #tpu.memory_space<hbm>> -> memref<1x50x128xi32, #tpu.memory_space<hbm>>
      %dma_wait3A_57 = tpu.memref_squeeze %dma_wait3A_56 : memref<1x50x128xi32, #tpu.memory_space<hbm>> -> memref<50x128xi32, #tpu.memory_space<hbm>>
      tpu.wait_dma2 semaphore(%run_scoped3A : memref<!tpu.dma_semaphore, #tpu.memory_space<semaphore_mem>>) src(%dma_wait3A_57 : memref<50x128xi32, #tpu.memory_space<hbm>>) dst(%arg8 : memref<50x128xi32, #tpu.memory_space<vmem>>)
      tpu.yield
    }) : () -> ()
    %mul3A_1 = arith.constant 50 : i32
    %mul3A_2 = arith.muli %add3A, %mul3A_1 : i32
    %mul3A_3 = arith.constant 128 : i32
    %mul3A_4 = arith.muli %mul3A_2, %mul3A_3 : i32
    %dma_start3A = arith.constant 0 : i32
    %dma_start3A_5 = arith.constant 0 : i32
    %dma_start3A_6 = arith.constant 0 : i32
    %dma_start3A_7 = arith.constant 0 : i32
    %dma_start3A_8 = tpu.memref_slice %arg11[%dma_start3A_5, %dma_start3A_6, %dma_start3A_7] : memref<2x128x128xf32, #tpu.memory_space<vmem>> -> memref<1x128x128xf32, #tpu.memory_space<vmem>>
    %dma_start3A_9 = tpu.memref_squeeze %dma_start3A_8 : memref<1x128x128xf32, #tpu.memory_space<vmem>> -> memref<128x128xf32, #tpu.memory_space<vmem>>
    %dma_start3A_10 = arith.constant 0 : i32
    %dma_start3A_11 = tpu.memref_slice %arg8[%dma_start3A, %dma_start3A_10] : memref<50x128xi32, #tpu.memory_space<vmem>> -> memref<1x128xi32, #tpu.memory_space<vmem>>
    %dma_start3A_12 = tpu.memref_squeeze %dma_start3A_11 : memref<1x128xi32, #tpu.memory_space<vmem>> -> memref<128xi32, #tpu.memory_space<vmem>>
    %dma_start3A_13 = arith.constant 0 : i32
    %dma_start3A_14 = arith.constant 0 : i32
    %dma_start3A_15 = tpu.memref_slice %arg2[%dma_start3A_13, %dma_start3A_14] : memref<1000000x128xf32, #tpu.memory_space<hbm>> -> memref<1000000x128xf32, #tpu.memory_space<hbm>>
    tpu.enqueue_indirect_dma source(%dma_start3A_15 : memref<1000000x128xf32, #tpu.memory_space<hbm>>) target(%dma_start3A_9 : memref<128x128xf32, #tpu.memory_space<vmem>>) offsets(%dma_start3A_12 : memref<128xi32, #tpu.memory_space<vmem>>) semaphore(%arg12 : memref<!tpu.dma_semaphore, #tpu.memory_space<semaphore_mem>>)
    %scan3A = arith.constant 0 : i32
    %scan3A_16 = arith.constant 0 : i32
    %scan3A_17 = arith.constant 50 : i32
    %scan3A_18 = arith.addi %scan3A_16, %scan3A_17 : i32
    %scan3A_19 = arith.constant 1 : i32
    scf.for %scan3A_43 = %scan3A_16 to %scan3A_18 step %scan3A_19  : i32 {
      %rem3A = arith.constant 2 : i32
      %rem3A_44 = arith.remsi %scan3A_43, %rem3A : i32
      %add3A_45 = arith.constant 1 : i32
      %add3A_46 = arith.addi %scan3A_43, %add3A_45 : i32
      %rem3A_47 = arith.constant 2 : i32
      %rem3A_48 = arith.remsi %add3A_46, %rem3A_47 : i32
      %add3A_49 = arith.constant 1 : i32
      %add3A_50 = arith.addi %scan3A_43, %add3A_49 : i32
      %lt3A = arith.constant 50 : i32
      %lt3A_51 = arith.cmpi slt, %add3A_50, %lt3A : i32
      %convert_element_type3A = arith.extui %lt3A_51 : i1 to i32
      %cond3A = arith.constant 0 : i32
      %cond3A_52 = arith.cmpi ne, %convert_element_type3A, %cond3A : i32
      scf.if %cond3A_52 {
        %add3A_71 = arith.constant 1 : i32
        %add3A_72 = arith.addi %scan3A_43, %add3A_71 : i32
        %dma_start3A_73 = arith.constant 0 : i32
        %dma_start3A_74 = arith.constant 0 : i32
        %dma_start3A_75 = tpu.memref_slice %arg11[%rem3A_48, %dma_start3A_73, %dma_start3A_74] : memref<2x128x128xf32, #tpu.memory_space<vmem>> -> memref<1x128x128xf32, #tpu.memory_space<vmem>>
        %dma_start3A_76 = tpu.memref_squeeze %dma_start3A_75 : memref<1x128x128xf32, #tpu.memory_space<vmem>> -> memref<128x128xf32, #tpu.memory_space<vmem>>
        %dma_start3A_77 = arith.constant 0 : i32
        %dma_start3A_78 = tpu.memref_slice %arg8[%add3A_72, %dma_start3A_77] : memref<50x128xi32, #tpu.memory_space<vmem>> -> memref<1x128xi32, #tpu.memory_space<vmem>>
        %dma_start3A_79 = tpu.memref_squeeze %dma_start3A_78 : memref<1x128xi32, #tpu.memory_space<vmem>> -> memref<128xi32, #tpu.memory_space<vmem>>
        %dma_start3A_80 = arith.constant 0 : i32
        %dma_start3A_81 = arith.constant 0 : i32
        %dma_start3A_82 = tpu.memref_slice %arg2[%dma_start3A_80, %dma_start3A_81] : memref<1000000x128xf32, #tpu.memory_space<hbm>> -> memref<1000000x128xf32, #tpu.memory_space<hbm>>
        tpu.enqueue_indirect_dma source(%dma_start3A_82 : memref<1000000x128xf32, #tpu.memory_space<hbm>>) target(%dma_start3A_76 : memref<128x128xf32, #tpu.memory_space<vmem>>) offsets(%dma_start3A_79 : memref<128xi32, #tpu.memory_space<vmem>>) semaphore(%arg12 : memref<!tpu.dma_semaphore, #tpu.memory_space<semaphore_mem>>)
      } else {
      }
      %dma_wait3A = arith.constant 0 : i32
      %dma_wait3A_53 = arith.constant 0 : i32
      %dma_wait3A_54 = tpu.memref_slice %arg11[%rem3A_44, %dma_wait3A, %dma_wait3A_53] : memref<2x128x128xf32, #tpu.memory_space<vmem>> -> memref<1x128x128xf32, #tpu.memory_space<vmem>>
      %dma_wait3A_55 = tpu.memref_squeeze %dma_wait3A_54 : memref<1x128x128xf32, #tpu.memory_space<vmem>> -> memref<128x128xf32, #tpu.memory_space<vmem>>
      %dma_wait3A_56 = arith.constant 0 : i32
      %dma_wait3A_57 = tpu.memref_slice %arg8[%scan3A_43, %dma_wait3A_56] : memref<50x128xi32, #tpu.memory_space<vmem>> -> memref<1x128xi32, #tpu.memory_space<vmem>>
      %dma_wait3A_58 = tpu.memref_squeeze %dma_wait3A_57 : memref<1x128xi32, #tpu.memory_space<vmem>> -> memref<128xi32, #tpu.memory_space<vmem>>
      %dma_wait3A_59 = arith.constant 0 : i32
      %dma_wait3A_60 = arith.constant 0 : i32
      %dma_wait3A_61 = tpu.memref_slice %arg2[%dma_wait3A_59, %dma_wait3A_60] : memref<1000000x128xf32, #tpu.memory_space<hbm>> -> memref<1000000x128xf32, #tpu.memory_space<hbm>>
      tpu.wait_indirect_dma semaphore(%arg12 : memref<!tpu.dma_semaphore, #tpu.memory_space<semaphore_mem>>) src(%dma_wait3A_61 : memref<1000000x128xf32, #tpu.memory_space<hbm>>) dst(%dma_wait3A_55 : memref<128x128xf32, #tpu.memory_space<vmem>>)
      %scan3A_62 = arith.constant 0 : i32
      %scan3A_63 = arith.constant 0 : i32
      %scan3A_64 = arith.constant 8 : i32
      %scan3A_65 = arith.addi %scan3A_63, %scan3A_64 : i32
      %scan3A_66 = arith.constant 1 : i32
      scf.for %scan3A_71 = %scan3A_63 to %scan3A_65 step %scan3A_66  : i32 {
        %mul3A_72 = arith.constant 16 : i32
        %mul3A_73 = arith.muli %mul3A_72, %scan3A_71 : i32
        %get3A = arith.index_cast %scan3A_43 : i32 to index
        %get3A_74 = arith.index_cast %mul3A_73 : i32 to index
        %get3A_75 = tpu.vector_load %arg10[%get3A, %get3A_74] {strides = array<i32>} : memref<50x128xf32, #tpu.memory_space<vmem>>, vector<16xf32>,
        %mul3A_76 = arith.constant 16 : i32
        %mul3A_77 = arith.muli %mul3A_76, %scan3A_71 : i32
        %iota3A = tpu.iota {dimensions = array<i32: 0>} : vector<16xi32>
        %add3A_78 = vector.broadcast %mul3A_77 : i32 to vector<16xi32>
        %add3A_79 = arith.addi %add3A_78, %iota3A : vector<16xi32>
        %broadcast_in_dim3A = arith.constant 64 : i32
        %broadcast_in_dim3A_80 = vector.broadcast %broadcast_in_dim3A : i32 to vector<16xi32>
        %scatter3A = arith.constant 0 : i32
        %scatter3A_81 = arith.constant 0 : i32
        %scatter3A_82 = tpu.memref_slice %arg11[%rem3A_44, %scatter3A, %scatter3A_81] : memref<2x128x128xf32, #tpu.memory_space<vmem>> -> memref<1x128x128xf32, #tpu.memory_space<vmem>>
        %scatter3A_83 = tpu.memref_squeeze %scatter3A_82 : memref<1x128x128xf32, #tpu.memory_space<vmem>> -> memref<128x128xf32, #tpu.memory_space<vmem>>
        tpu.vector_store_idx %scatter3A_83[%add3A_79, %broadcast_in_dim3A_80], %get3A_75 : memref<128x128xf32, #tpu.memory_space<vmem>>[vector<16xi32>, vector<16xi32>], vector<16xf32>,
      }
      %scan3A_67 = arith.constant 8 : i32
      %mul3A_68 = arith.constant 128 : i32
      %mul3A_69 = arith.muli %scan3A_43, %mul3A_68 : i32
      %add3A_70 = arith.addi %mul3A_4, %mul3A_69 : i32
      "tpu.region"() ({
        %run_scoped3A = tpu.sem_alloc : memref<!tpu.dma_semaphore, #tpu.memory_space<semaphore_mem>>
        %dma_start3A_71 = arith.constant 0 : i32
        %dma_start3A_72 = arith.constant 0 : i32
        %dma_start3A_73 = tpu.memref_slice %arg11[%rem3A_44, %dma_start3A_71, %dma_start3A_72] : memref<2x128x128xf32, #tpu.memory_space<vmem>> -> memref<1x128x128xf32, #tpu.memory_space<vmem>>
        %dma_start3A_74 = tpu.memref_squeeze %dma_start3A_73 : memref<1x128x128xf32, #tpu.memory_space<vmem>> -> memref<128x128xf32, #tpu.memory_space<vmem>>
        %dma_start3A_75 = arith.constant 0 : i32
        %dma_start3A_76 = tpu.memref_slice %arg6[%add3A_70, %dma_start3A_75] : memref<204800x128xf32, #tpu.memory_space<hbm>> -> memref<128x128xf32, #tpu.memory_space<hbm>>
        %dma_start3A_77 = arith.constant 0 : i32
        %dma_start3A_78 = tpu.memref_slice %arg6[%add3A_70, %dma_start3A_77] : memref<204800x128xf32, #tpu.memory_space<hbm>> -> memref<128x128xf32, #tpu.memory_space<hbm>>
        %dma_start3A_79 = arith.constant 0 : i32
        %dma_start3A_80 = arith.constant 0 : i32
        %dma_start3A_81 = tpu.memref_slice %arg11[%rem3A_44, %dma_start3A_79, %dma_start3A_80] : memref<2x128x128xf32, #tpu.memory_space<vmem>> -> memref<1x128x128xf32, #tpu.memory_space<vmem>>
        %dma_start3A_82 = tpu.memref_squeeze %dma_start3A_81 : memref<1x128x128xf32, #tpu.memory_space<vmem>> -> memref<128x128xf32, #tpu.memory_space<vmem>>
        tpu.enqueue_dma source(%dma_start3A_82 : memref<128x128xf32, #tpu.memory_space<vmem>>) target(%dma_start3A_78 : memref<128x128xf32, #tpu.memory_space<hbm>>) target_semaphore(%run_scoped3A : memref<!tpu.dma_semaphore, #tpu.memory_space<semaphore_mem>>)
        %dma_wait3A_83 = arith.constant 0 : i32
        %dma_wait3A_84 = arith.constant 0 : i32
        %dma_wait3A_85 = tpu.memref_slice %arg11[%rem3A_44, %dma_wait3A_83, %dma_wait3A_84] : memref<2x128x128xf32, #tpu.memory_space<vmem>> -> memref<1x128x128xf32, #tpu.memory_space<vmem>>
        %dma_wait3A_86 = tpu.memref_squeeze %dma_wait3A_85 : memref<1x128x128xf32, #tpu.memory_space<vmem>> -> memref<128x128xf32, #tpu.memory_space<vmem>>
        %dma_wait3A_87 = arith.constant 0 : i32
        %dma_wait3A_88 = tpu.memref_slice %arg6[%add3A_70, %dma_wait3A_87] : memref<204800x128xf32, #tpu.memory_space<hbm>> -> memref<128x128xf32, #tpu.memory_space<hbm>>
        %dma_wait3A_89 = arith.constant 0 : i32
        %dma_wait3A_90 = tpu.memref_slice %arg6[%add3A_70, %dma_wait3A_89] : memref<204800x128xf32, #tpu.memory_space<hbm>> -> memref<128x128xf32, #tpu.memory_space<hbm>>
        %dma_wait3A_91 = arith.constant 0 : i32
        %dma_wait3A_92 = arith.constant 0 : i32
        %dma_wait3A_93 = tpu.memref_slice %arg11[%rem3A_44, %dma_wait3A_91, %dma_wait3A_92] : memref<2x128x128xf32, #tpu.memory_space<vmem>> -> memref<1x128x128xf32, #tpu.memory_space<vmem>>
        %dma_wait3A_94 = tpu.memref_squeeze %dma_wait3A_93 : memref<1x128x128xf32, #tpu.memory_space<vmem>> -> memref<128x128xf32, #tpu.memory_space<vmem>>
        tpu.wait_dma2 semaphore(%run_scoped3A : memref<!tpu.dma_semaphore, #tpu.memory_space<semaphore_mem>>) src(%dma_wait3A_94 : memref<128x128xf32, #tpu.memory_space<vmem>>) dst(%dma_wait3A_90 : memref<128x128xf32, #tpu.memory_space<hbm>>)
        tpu.yield
      }) : () -> ()
    }
    %scan3A_20 = arith.constant 50 : i32
    "tpu.region"() ({
      %run_scoped3A = tpu.sem_alloc : memref<!tpu.dma_semaphore, #tpu.memory_space<semaphore_mem>>
      %dma_start3A_43 = arith.constant 0 : i32
      %dma_start3A_44 = arith.constant 0 : i32
      %dma_start3A_45 = tpu.memref_slice %arg4[%add3A, %dma_start3A_43, %dma_start3A_44] : memref<32x5x128xi32, #tpu.memory_space<hbm>> -> memref<1x5x128xi32, #tpu.memory_space<hbm>>
      %dma_start3A_46 = tpu.memref_squeeze %dma_start3A_45 : memref<1x5x128xi32, #tpu.memory_space<hbm>> -> memref<5x128xi32, #tpu.memory_space<hbm>>
      %dma_start3A_47 = arith.constant 0 : i32
      %dma_start3A_48 = arith.constant 0 : i32
      %dma_start3A_49 = tpu.memref_slice %arg4[%add3A, %dma_start3A_47, %dma_start3A_48] : memref<32x5x128xi32, #tpu.memory_space<hbm>> -> memref<1x5x128xi32, #tpu.memory_space<hbm>>
      %dma_start3A_50 = tpu.memref_squeeze %dma_start3A_49 : memref<1x5x128xi32, #tpu.memory_space<hbm>> -> memref<5x128xi32, #tpu.memory_space<hbm>>
      tpu.enqueue_dma source(%dma_start3A_50 : memref<5x128xi32, #tpu.memory_space<hbm>>) target(%arg9 : memref<5x128xi32, #tpu.memory_space<vmem>>) target_semaphore(%run_scoped3A : memref<!tpu.dma_semaphore, #tpu.memory_space<semaphore_mem>>)
      %dma_wait3A = arith.constant 0 : i32
      %dma_wait3A_51 = arith.constant 0 : i32
      %dma_wait3A_52 = tpu.memref_slice %arg4[%add3A, %dma_wait3A, %dma_wait3A_51] : memref<32x5x128xi32, #tpu.memory_space<hbm>> -> memref<1x5x128xi32, #tpu.memory_space<hbm>>
      %dma_wait3A_53 = tpu.memref_squeeze %dma_wait3A_52 : memref<1x5x128xi32, #tpu.memory_space<hbm>> -> memref<5x128xi32, #tpu.memory_space<hbm>>
      %dma_wait3A_54 = arith.constant 0 : i32
      %dma_wait3A_55 = arith.constant 0 : i32
      %dma_wait3A_56 = tpu.memref_slice %arg4[%add3A, %dma_wait3A_54, %dma_wait3A_55] : memref<32x5x128xi32, #tpu.memory_space<hbm>> -> memref<1x5x128xi32, #tpu.memory_space<hbm>>
      %dma_wait3A_57 = tpu.memref_squeeze %dma_wait3A_56 : memref<1x5x128xi32, #tpu.memory_space<hbm>> -> memref<5x128xi32, #tpu.memory_space<hbm>>
      tpu.wait_dma2 semaphore(%run_scoped3A : memref<!tpu.dma_semaphore, #tpu.memory_space<semaphore_mem>>) src(%dma_wait3A_57 : memref<5x128xi32, #tpu.memory_space<hbm>>) dst(%arg9 : memref<5x128xi32, #tpu.memory_space<vmem>>)
      tpu.yield
    }) : () -> ()
    %mul3A_21 = arith.constant 5 : i32
    %mul3A_22 = arith.muli %add3A, %mul3A_21 : i32
    %mul3A_23 = arith.constant 128 : i32
    %mul3A_24 = arith.muli %mul3A_22, %mul3A_23 : i32
    %dma_start3A_25 = arith.constant 0 : i32
    %dma_start3A_26 = arith.constant 0 : i32
    %dma_start3A_27 = arith.constant 0 : i32
    %dma_start3A_28 = arith.constant 0 : i32
    %dma_start3A_29 = tpu.memref_slice %arg11[%dma_start3A_26, %dma_start3A_27, %dma_start3A_28] : memref<2x128x128xf32, #tpu.memory_space<vmem>> -> memref<1x128x128xf32, #tpu.memory_space<vmem>>
    %dma_start3A_30 = tpu.memref_squeeze %dma_start3A_29 : memref<1x128x128xf32, #tpu.memory_space<vmem>> -> memref<128x128xf32, #tpu.memory_space<vmem>>
    %dma_start3A_31 = arith.constant 0 : i32
    %dma_start3A_32 = tpu.memref_slice %arg9[%dma_start3A_25, %dma_start3A_31] : memref<5x128xi32, #tpu.memory_space<vmem>> -> memref<1x128xi32, #tpu.memory_space<vmem>>
    %dma_start3A_33 = tpu.memref_squeeze %dma_start3A_32 : memref<1x128xi32, #tpu.memory_space<vmem>> -> memref<128xi32, #tpu.memory_space<vmem>>
    %dma_start3A_34 = arith.constant 0 : i32
    %dma_start3A_35 = arith.constant 0 : i32
    %dma_start3A_36 = tpu.memref_slice %arg2[%dma_start3A_34, %dma_start3A_35] : memref<1000000x128xf32, #tpu.memory_space<hbm>> -> memref<1000000x128xf32, #tpu.memory_space<hbm>>
    tpu.enqueue_indirect_dma source(%dma_start3A_36 : memref<1000000x128xf32, #tpu.memory_space<hbm>>) target(%dma_start3A_30 : memref<128x128xf32, #tpu.memory_space<vmem>>) offsets(%dma_start3A_33 : memref<128xi32, #tpu.memory_space<vmem>>) semaphore(%arg12 : memref<!tpu.dma_semaphore, #tpu.memory_space<semaphore_mem>>)
    %scan3A_37 = arith.constant 0 : i32
    %scan3A_38 = arith.constant 0 : i32
    %scan3A_39 = arith.constant 5 : i32
    %scan3A_40 = arith.addi %scan3A_38, %scan3A_39 : i32
    %scan3A_41 = arith.constant 1 : i32
    scf.for %scan3A_43 = %scan3A_38 to %scan3A_40 step %scan3A_41  : i32 {
      %rem3A = arith.constant 2 : i32
      %rem3A_44 = arith.remsi %scan3A_43, %rem3A : i32
      %add3A_45 = arith.constant 1 : i32
      %add3A_46 = arith.addi %scan3A_43, %add3A_45 : i32
      %rem3A_47 = arith.constant 2 : i32
      %rem3A_48 = arith.remsi %add3A_46, %rem3A_47 : i32
      %add3A_49 = arith.constant 1 : i32
      %add3A_50 = arith.addi %scan3A_43, %add3A_49 : i32
      %lt3A = arith.constant 5 : i32
      %lt3A_51 = arith.cmpi slt, %add3A_50, %lt3A : i32
      %convert_element_type3A = arith.extui %lt3A_51 : i1 to i32
      %cond3A = arith.constant 0 : i32
      %cond3A_52 = arith.cmpi ne, %convert_element_type3A, %cond3A : i32
      scf.if %cond3A_52 {
        %add3A_65 = arith.constant 1 : i32
        %add3A_66 = arith.addi %scan3A_43, %add3A_65 : i32
        %dma_start3A_67 = arith.constant 0 : i32
        %dma_start3A_68 = arith.constant 0 : i32
        %dma_start3A_69 = tpu.memref_slice %arg11[%rem3A_48, %dma_start3A_67, %dma_start3A_68] : memref<2x128x128xf32, #tpu.memory_space<vmem>> -> memref<1x128x128xf32, #tpu.memory_space<vmem>>
        %dma_start3A_70 = tpu.memref_squeeze %dma_start3A_69 : memref<1x128x128xf32, #tpu.memory_space<vmem>> -> memref<128x128xf32, #tpu.memory_space<vmem>>
        %dma_start3A_71 = arith.constant 0 : i32
        %dma_start3A_72 = tpu.memref_slice %arg9[%add3A_66, %dma_start3A_71] : memref<5x128xi32, #tpu.memory_space<vmem>> -> memref<1x128xi32, #tpu.memory_space<vmem>>
        %dma_start3A_73 = tpu.memref_squeeze %dma_start3A_72 : memref<1x128xi32, #tpu.memory_space<vmem>> -> memref<128xi32, #tpu.memory_space<vmem>>
        %dma_start3A_74 = arith.constant 0 : i32
        %dma_start3A_75 = arith.constant 0 : i32
        %dma_start3A_76 = tpu.memref_slice %arg2[%dma_start3A_74, %dma_start3A_75] : memref<1000000x128xf32, #tpu.memory_space<hbm>> -> memref<1000000x128xf32, #tpu.memory_space<hbm>>
        tpu.enqueue_indirect_dma source(%dma_start3A_76 : memref<1000000x128xf32, #tpu.memory_space<hbm>>) target(%dma_start3A_70 : memref<128x128xf32, #tpu.memory_space<vmem>>) offsets(%dma_start3A_73 : memref<128xi32, #tpu.memory_space<vmem>>) semaphore(%arg12 : memref<!tpu.dma_semaphore, #tpu.memory_space<semaphore_mem>>)
      } else {
      }
      %dma_wait3A = arith.constant 0 : i32
      %dma_wait3A_53 = arith.constant 0 : i32
      %dma_wait3A_54 = tpu.memref_slice %arg11[%rem3A_44, %dma_wait3A, %dma_wait3A_53] : memref<2x128x128xf32, #tpu.memory_space<vmem>> -> memref<1x128x128xf32, #tpu.memory_space<vmem>>
      %dma_wait3A_55 = tpu.memref_squeeze %dma_wait3A_54 : memref<1x128x128xf32, #tpu.memory_space<vmem>> -> memref<128x128xf32, #tpu.memory_space<vmem>>
      %dma_wait3A_56 = arith.constant 0 : i32
      %dma_wait3A_57 = tpu.memref_slice %arg9[%scan3A_43, %dma_wait3A_56] : memref<5x128xi32, #tpu.memory_space<vmem>> -> memref<1x128xi32, #tpu.memory_space<vmem>>
      %dma_wait3A_58 = tpu.memref_squeeze %dma_wait3A_57 : memref<1x128xi32, #tpu.memory_space<vmem>> -> memref<128xi32, #tpu.memory_space<vmem>>
      %dma_wait3A_59 = arith.constant 0 : i32
      %dma_wait3A_60 = arith.constant 0 : i32
      %dma_wait3A_61 = tpu.memref_slice %arg2[%dma_wait3A_59, %dma_wait3A_60] : memref<1000000x128xf32, #tpu.memory_space<hbm>> -> memref<1000000x128xf32, #tpu.memory_space<hbm>>
      tpu.wait_indirect_dma semaphore(%arg12 : memref<!tpu.dma_semaphore, #tpu.memory_space<semaphore_mem>>) src(%dma_wait3A_61 : memref<1000000x128xf32, #tpu.memory_space<hbm>>) dst(%dma_wait3A_55 : memref<128x128xf32, #tpu.memory_space<vmem>>)
      %mul3A_62 = arith.constant 128 : i32
      %mul3A_63 = arith.muli %scan3A_43, %mul3A_62 : i32
      %add3A_64 = arith.addi %mul3A_24, %mul3A_63 : i32
      "tpu.region"() ({
        %run_scoped3A = tpu.sem_alloc : memref<!tpu.dma_semaphore, #tpu.memory_space<semaphore_mem>>
        %dma_start3A_65 = arith.constant 0 : i32
        %dma_start3A_66 = arith.constant 0 : i32
        %dma_start3A_67 = tpu.memref_slice %arg11[%rem3A_44, %dma_start3A_65, %dma_start3A_66] : memref<2x128x128xf32, #tpu.memory_space<vmem>> -> memref<1x128x128xf32, #tpu.memory_space<vmem>>
        %dma_start3A_68 = tpu.memref_squeeze %dma_start3A_67 : memref<1x128x128xf32, #tpu.memory_space<vmem>> -> memref<128x128xf32, #tpu.memory_space<vmem>>
        %dma_start3A_69 = arith.constant 0 : i32
        %dma_start3A_70 = tpu.memref_slice %arg7[%add3A_64, %dma_start3A_69] : memref<20480x128xf32, #tpu.memory_space<hbm>> -> memref<128x128xf32, #tpu.memory_space<hbm>>
        %dma_start3A_71 = arith.constant 0 : i32
        %dma_start3A_72 = tpu.memref_slice %arg7[%add3A_64, %dma_start3A_71] : memref<20480x128xf32, #tpu.memory_space<hbm>> -> memref<128x128xf32, #tpu.memory_space<hbm>>
        %dma_start3A_73 = arith.constant 0 : i32
        %dma_start3A_74 = arith.constant 0 : i32
        %dma_start3A_75 = tpu.memref_slice %arg11[%rem3A_44, %dma_start3A_73, %dma_start3A_74] : memref<2x128x128xf32, #tpu.memory_space<vmem>> -> memref<1x128x128xf32, #tpu.memory_space<vmem>>
        %dma_start3A_76 = tpu.memref_squeeze %dma_start3A_75 : memref<1x128x128xf32, #tpu.memory_space<vmem>> -> memref<128x128xf32, #tpu.memory_space<vmem>>
        tpu.enqueue_dma source(%dma_start3A_76 : memref<128x128xf32, #tpu.memory_space<vmem>>) target(%dma_start3A_72 : memref<128x128xf32, #tpu.memory_space<hbm>>) target_semaphore(%run_scoped3A : memref<!tpu.dma_semaphore, #tpu.memory_space<semaphore_mem>>)
        %dma_wait3A_77 = arith.constant 0 : i32
        %dma_wait3A_78 = arith.constant 0 : i32
        %dma_wait3A_79 = tpu.memref_slice %arg11[%rem3A_44, %dma_wait3A_77, %dma_wait3A_78] : memref<2x128x128xf32, #tpu.memory_space<vmem>> -> memref<1x128x128xf32, #tpu.memory_space<vmem>>
        %dma_wait3A_80 = tpu.memref_squeeze %dma_wait3A_79 : memref<1x128x128xf32, #tpu.memory_space<vmem>> -> memref<128x128xf32, #tpu.memory_space<vmem>>
        %dma_wait3A_81 = arith.constant 0 : i32
        %dma_wait3A_82 = tpu.memref_slice %arg7[%add3A_64, %dma_wait3A_81] : memref<20480x128xf32, #tpu.memory_space<hbm>> -> memref<128x128xf32, #tpu.memory_space<hbm>>
        %dma_wait3A_83 = arith.constant 0 : i32
        %dma_wait3A_84 = tpu.memref_slice %arg7[%add3A_64, %dma_wait3A_83] : memref<20480x128xf32, #tpu.memory_space<hbm>> -> memref<128x128xf32, #tpu.memory_space<hbm>>
        %dma_wait3A_85 = arith.constant 0 : i32
        %dma_wait3A_86 = arith.constant 0 : i32
        %dma_wait3A_87 = tpu.memref_slice %arg11[%rem3A_44, %dma_wait3A_85, %dma_wait3A_86] : memref<2x128x128xf32, #tpu.memory_space<vmem>> -> memref<1x128x128xf32, #tpu.memory_space<vmem>>
        %dma_wait3A_88 = tpu.memref_squeeze %dma_wait3A_87 : memref<1x128x128xf32, #tpu.memory_space<vmem>> -> memref<128x128xf32, #tpu.memory_space<vmem>>
        tpu.wait_dma2 semaphore(%run_scoped3A : memref<!tpu.dma_semaphore, #tpu.memory_space<semaphore_mem>>) src(%dma_wait3A_88 : memref<128x128xf32, #tpu.memory_space<vmem>>) dst(%dma_wait3A_84 : memref<128x128xf32, #tpu.memory_space<hbm>>)
        tpu.yield
      }) : () -> ()
    }
    %scan3A_42 = arith.constant 5 : i32
    return
  }
}

module attributes {stable_mosaic.version = 14 : i64} {
  func.func @body(%arg0: i32, %arg1: memref<64x128xf32, #tpu.memory_space<vmem>>, %arg2: memref<640x128xf32, #tpu.memory_space<vmem>>, %arg3: memref<6400x128xf32, #tpu.memory_space<vmem>>, %arg4: memref<640x1xf32, #tpu.memory_space<vmem>>, %arg5: memref<80x800xf32, #tpu.memory_space<vmem>>, %arg6: memref<64x640xf32, #tpu.memory_space<vmem>>, %arg7: memref<64x64xf32, #tpu.memory_space<vmem>>, %arg8: memref<64x64xf32, #tpu.memory_space<vmem>>, %arg9: memref<64x64xf32, #tpu.memory_space<vmem>>, %arg10: memref<64x64xf32, #tpu.memory_space<vmem>>, %arg11: memref<64x64xf32, #tpu.memory_space<vmem>>, %arg12: memref<64x64xf32, #tpu.memory_space<vmem>>, %arg13: memref<1x64xf32, #tpu.memory_space<vmem>>, %arg14: memref<1x64xf32, #tpu.memory_space<vmem>>, %arg15: memref<1x64xf32, #tpu.memory_space<vmem>>, %arg16: memref<1x64xf32, #tpu.memory_space<vmem>>, %arg17: memref<1x64xf32, #tpu.memory_space<vmem>>, %arg18: memref<64x64xf32, #tpu.memory_space<vmem>>) attributes {dimension_semantics = [#tpu.dimension_semantics<arbitrary>], iteration_bounds = array<i64: 32>, scalar_prefetch = 0 : i64, scratch_operands = 0 : i64, tpu.core_type = #tpu.core_type<tc>, window_params = [{transform_indices = @transform_0, window_bounds = array<i64: 64, 128>}, {transform_indices = @transform_1, window_bounds = array<i64: 640, 128>}, {transform_indices = @transform_2, window_bounds = array<i64: 6400, 128>}, {transform_indices = @transform_3, window_bounds = array<i64: 640, 1>}, {pipeline_mode = #tpu.pipeline_mode<synchronous>, transform_indices = @transform_4, window_bounds = array<i64: 80, 800>}, {pipeline_mode = #tpu.pipeline_mode<synchronous>, transform_indices = @transform_5, window_bounds = array<i64: 64, 640>}, {pipeline_mode = #tpu.pipeline_mode<synchronous>, transform_indices = @transform_6, window_bounds = array<i64: 64, 64>}, {pipeline_mode = #tpu.pipeline_mode<synchronous>, transform_indices = @transform_7, window_bounds = array<i64: 64, 64>}, {pipeline_mode = #tpu.pipeline_mode<synchronous>, transform_indices = @transform_8, window_bounds = array<i64: 64, 64>}, {pipeline_mode = #tpu.pipeline_mode<synchronous>, transform_indices = @transform_9, window_bounds = array<i64: 64, 64>}, {pipeline_mode = #tpu.pipeline_mode<synchronous>, transform_indices = @transform_10, window_bounds = array<i64: 64, 64>}, {pipeline_mode = #tpu.pipeline_mode<synchronous>, transform_indices = @transform_11, window_bounds = array<i64: 64, 64>}, {pipeline_mode = #tpu.pipeline_mode<synchronous>, transform_indices = @transform_12, window_bounds = array<i64: 1, 64>}, {pipeline_mode = #tpu.pipeline_mode<synchronous>, transform_indices = @transform_13, window_bounds = array<i64: 1, 64>}, {pipeline_mode = #tpu.pipeline_mode<synchronous>, transform_indices = @transform_14, window_bounds = array<i64: 1, 64>}, {pipeline_mode = #tpu.pipeline_mode<synchronous>, transform_indices = @transform_15, window_bounds = array<i64: 1, 64>}, {pipeline_mode = #tpu.pipeline_mode<synchronous>, transform_indices = @transform_16, window_bounds = array<i64: 1, 64>}, {transform_indices = @transform_17, window_bounds = array<i64: 64, 64>}]} {
    %get3A = arith.constant 0 : index
    %get3A_0 = arith.constant 0 : index
    %get3A_1 = vector.load %arg13[%get3A, %get3A_0] : memref<1x64xf32, #tpu.memory_space<vmem>>, vector<1x64xf32>
    %get3A_2 = arith.constant 0 : index
    %get3A_3 = arith.constant 0 : index
    %get3A_4 = vector.load %arg14[%get3A_2, %get3A_3] : memref<1x64xf32, #tpu.memory_space<vmem>>, vector<1x64xf32>
    %get3A_5 = arith.constant 0 : index
    %get3A_6 = arith.constant 0 : index
    %get3A_7 = vector.load %arg5[%get3A_5, %get3A_6] : memref<80x800xf32, #tpu.memory_space<vmem>>, vector<80x800xf32>
    %get3A_8 = arith.constant 0 : index
    %get3A_9 = arith.constant 0 : index
    %get3A_10 = vector.load %arg6[%get3A_8, %get3A_9] : memref<64x640xf32, #tpu.memory_space<vmem>>, vector<64x640xf32>
    %get3A_11 = arith.constant 0 : index
    %get3A_12 = arith.constant 0 : index
    %get3A_13 = vector.load %arg3[%get3A_11, %get3A_12] : memref<6400x128xf32, #tpu.memory_space<vmem>>, vector<6400x128xf32>
    %slice3A = vector.extract_strided_slice %get3A_13 {offsets = [0, 0], sizes = [6400, 64], strides = [1, 1]} : vector<6400x128xf32> to vector<6400x64xf32>
    %add3A = vector.broadcast %get3A_1 : vector<1x64xf32> to vector<6400x64xf32>
    %add3A_14 = arith.addf %slice3A, %add3A : vector<6400x64xf32>
    %max3A = arith.constant 0.000000e+00 : f32
    %max3A_15 = vector.broadcast %max3A : f32 to vector<6400x64xf32>
    %max3A_16 = arith.maximumf %add3A_14, %max3A_15 : vector<6400x64xf32>
    %slice3A_17 = vector.extract_strided_slice %get3A_13 {offsets = [0, 64], sizes = [6400, 1], strides = [1, 1]} : vector<6400x128xf32> to vector<6400x1xf32>
    %mul3A = vector.broadcast %slice3A_17 : vector<6400x1xf32> to vector<6400x64xf32>
    %mul3A_18 = arith.mulf %max3A_16, %mul3A : vector<6400x64xf32>
    %slice3A_19 = vector.extract_strided_slice %mul3A_18 {offsets = [0, 0], sizes = [800, 64], strides = [1, 1]} : vector<6400x64xf32> to vector<800x64xf32>
    %dot_general3A = arith.constant dense<0.000000e+00> : vector<80x64xf32>
    %dot_general3A_20 = tpu.matmul %get3A_7, %slice3A_19, %dot_general3A {dimension_numbers = #tpu.dot_dimension_numbers<[1], [0], [0], [1], [0, 0, 1, 1], [], []>, transpose_lhs_hint = false} : vector<80x800xf32>, vector<800x64xf32>, vector<80x64xf32> -> vector<80x64xf32>
    %slice3A_21 = vector.extract_strided_slice %mul3A_18 {offsets = [800, 0], sizes = [800, 64], strides = [1, 1]} : vector<6400x64xf32> to vector<800x64xf32>
    %dot_general3A_22 = arith.constant dense<0.000000e+00> : vector<80x64xf32>
    %dot_general3A_23 = tpu.matmul %get3A_7, %slice3A_21, %dot_general3A_22 {dimension_numbers = #tpu.dot_dimension_numbers<[1], [0], [0], [1], [0, 0, 1, 1], [], []>, transpose_lhs_hint = false} : vector<80x800xf32>, vector<800x64xf32>, vector<80x64xf32> -> vector<80x64xf32>
    %slice3A_24 = vector.extract_strided_slice %mul3A_18 {offsets = [1600, 0], sizes = [800, 64], strides = [1, 1]} : vector<6400x64xf32> to vector<800x64xf32>
    %dot_general3A_25 = arith.constant dense<0.000000e+00> : vector<80x64xf32>
    %dot_general3A_26 = tpu.matmul %get3A_7, %slice3A_24, %dot_general3A_25 {dimension_numbers = #tpu.dot_dimension_numbers<[1], [0], [0], [1], [0, 0, 1, 1], [], []>, transpose_lhs_hint = false} : vector<80x800xf32>, vector<800x64xf32>, vector<80x64xf32> -> vector<80x64xf32>
    %slice3A_27 = vector.extract_strided_slice %mul3A_18 {offsets = [2400, 0], sizes = [800, 64], strides = [1, 1]} : vector<6400x64xf32> to vector<800x64xf32>
    %dot_general3A_28 = arith.constant dense<0.000000e+00> : vector<80x64xf32>
    %dot_general3A_29 = tpu.matmul %get3A_7, %slice3A_27, %dot_general3A_28 {dimension_numbers = #tpu.dot_dimension_numbers<[1], [0], [0], [1], [0, 0, 1, 1], [], []>, transpose_lhs_hint = false} : vector<80x800xf32>, vector<800x64xf32>, vector<80x64xf32> -> vector<80x64xf32>
    %slice3A_30 = vector.extract_strided_slice %mul3A_18 {offsets = [3200, 0], sizes = [800, 64], strides = [1, 1]} : vector<6400x64xf32> to vector<800x64xf32>
    %dot_general3A_31 = arith.constant dense<0.000000e+00> : vector<80x64xf32>
    %dot_general3A_32 = tpu.matmul %get3A_7, %slice3A_30, %dot_general3A_31 {dimension_numbers = #tpu.dot_dimension_numbers<[1], [0], [0], [1], [0, 0, 1, 1], [], []>, transpose_lhs_hint = false} : vector<80x800xf32>, vector<800x64xf32>, vector<80x64xf32> -> vector<80x64xf32>
    %slice3A_33 = vector.extract_strided_slice %mul3A_18 {offsets = [4000, 0], sizes = [800, 64], strides = [1, 1]} : vector<6400x64xf32> to vector<800x64xf32>
    %dot_general3A_34 = arith.constant dense<0.000000e+00> : vector<80x64xf32>
    %dot_general3A_35 = tpu.matmul %get3A_7, %slice3A_33, %dot_general3A_34 {dimension_numbers = #tpu.dot_dimension_numbers<[1], [0], [0], [1], [0, 0, 1, 1], [], []>, transpose_lhs_hint = false} : vector<80x800xf32>, vector<800x64xf32>, vector<80x64xf32> -> vector<80x64xf32>
    %slice3A_36 = vector.extract_strided_slice %mul3A_18 {offsets = [4800, 0], sizes = [800, 64], strides = [1, 1]} : vector<6400x64xf32> to vector<800x64xf32>
    %dot_general3A_37 = arith.constant dense<0.000000e+00> : vector<80x64xf32>
    %dot_general3A_38 = tpu.matmul %get3A_7, %slice3A_36, %dot_general3A_37 {dimension_numbers = #tpu.dot_dimension_numbers<[1], [0], [0], [1], [0, 0, 1, 1], [], []>, transpose_lhs_hint = false} : vector<80x800xf32>, vector<800x64xf32>, vector<80x64xf32> -> vector<80x64xf32>
    %slice3A_39 = vector.extract_strided_slice %mul3A_18 {offsets = [5600, 0], sizes = [800, 64], strides = [1, 1]} : vector<6400x64xf32> to vector<800x64xf32>
    %dot_general3A_40 = arith.constant dense<0.000000e+00> : vector<80x64xf32>
    %dot_general3A_41 = tpu.matmul %get3A_7, %slice3A_39, %dot_general3A_40 {dimension_numbers = #tpu.dot_dimension_numbers<[1], [0], [0], [1], [0, 0, 1, 1], [], []>, transpose_lhs_hint = false} : vector<80x800xf32>, vector<800x64xf32>, vector<80x64xf32> -> vector<80x64xf32>
    %concatenate3A = tpu.concatenate %dot_general3A_20, %dot_general3A_23, %dot_general3A_26, %dot_general3A_29, %dot_general3A_32, %dot_general3A_35, %dot_general3A_38, %dot_general3A_41 in 0 : vector<80x64xf32>, vector<80x64xf32>, vector<80x64xf32>, vector<80x64xf32>, vector<80x64xf32>, vector<80x64xf32>, vector<80x64xf32>, vector<80x64xf32> -> vector<640x64xf32>
    %get3A_42 = arith.constant 0 : index
    %get3A_43 = arith.constant 0 : index
    %get3A_44 = vector.load %arg2[%get3A_42, %get3A_43] : memref<640x128xf32, #tpu.memory_space<vmem>>, vector<640x128xf32>
    %slice3A_45 = vector.extract_strided_slice %get3A_44 {offsets = [0, 64], sizes = [640, 64], strides = [1, 1]} : vector<640x128xf32> to vector<640x64xf32>
    %add3A_46 = vector.broadcast %get3A_4 : vector<1x64xf32> to vector<640x64xf32>
    %add3A_47 = arith.addf %slice3A_45, %add3A_46 : vector<640x64xf32>
    %get3A_48 = arith.constant 0 : index
    %get3A_49 = arith.constant 0 : index
    %get3A_50 = vector.load %arg7[%get3A_48, %get3A_49] : memref<64x64xf32, #tpu.memory_space<vmem>>, vector<64x64xf32>
    %dot_general3A_51 = arith.constant dense<0.000000e+00> : vector<640x64xf32>
    %dot_general3A_52 = tpu.matmul %concatenate3A, %get3A_50, %dot_general3A_51 {dimension_numbers = #tpu.dot_dimension_numbers<[1], [0], [0], [1], [0, 0, 1, 1], [], []>, transpose_lhs_hint = false} : vector<640x64xf32>, vector<64x64xf32>, vector<640x64xf32> -> vector<640x64xf32>
    %add3A_53 = arith.addf %add3A_47, %dot_general3A_52 : vector<640x64xf32>
    %max3A_54 = arith.constant 0.000000e+00 : f32
    %max3A_55 = vector.broadcast %max3A_54 : f32 to vector<640x64xf32>
    %max3A_56 = arith.maximumf %add3A_53, %max3A_55 : vector<640x64xf32>
    %mul3A_57 = arith.mulf %max3A_56, %max3A_56 : vector<640x64xf32>
    %reduce_sum3A = arith.constant dense<0.000000e+00> : vector<640xf32>
    %reduce_sum3A_58 = vector.multi_reduction <add>, %mul3A_57, %reduce_sum3A [1] : vector<640x64xf32> to vector<640xf32>
    %broadcast_in_dim3A = vector.shape_cast %reduce_sum3A_58 : vector<640xf32> to vector<640x1xf32>
    %sqrt3A = math.sqrt %broadcast_in_dim3A : vector<640x1xf32>
    %eq3A = arith.constant 0.000000e+00 : f32
    %eq3A_59 = vector.broadcast %eq3A : f32 to vector<640x1xf32>
    %eq3A_60 = arith.cmpf oeq, %sqrt3A, %eq3A_59 : vector<640x1xf32>
    %jit3A = arith.constant 1.000000e+00 : f32
    %broadcast_in_dim3A_61 = vector.broadcast %jit3A : f32 to vector<640x1xf32>
    %select_n3A = arith.select %eq3A_60, %broadcast_in_dim3A_61, %sqrt3A : vector<640x1xi1>, vector<640x1xf32>
    %div3A = vector.broadcast %select_n3A : vector<640x1xf32> to vector<640x64xf32>
    %div3A_62 = arith.divf %max3A_56, %div3A : vector<640x64xf32>
    %slice3A_63 = vector.extract_strided_slice %get3A_44 {offsets = [0, 0], sizes = [640, 64], strides = [1, 1]} : vector<640x128xf32> to vector<640x64xf32>
    %add3A_64 = vector.broadcast %get3A_1 : vector<1x64xf32> to vector<640x64xf32>
    %add3A_65 = arith.addf %slice3A_63, %add3A_64 : vector<640x64xf32>
    %max3A_66 = arith.constant 0.000000e+00 : f32
    %max3A_67 = vector.broadcast %max3A_66 : f32 to vector<640x64xf32>
    %max3A_68 = arith.maximumf %add3A_65, %max3A_67 : vector<640x64xf32>
    %get3A_69 = arith.constant 0 : index
    %get3A_70 = arith.constant 0 : index
    %get3A_71 = vector.load %arg4[%get3A_69, %get3A_70] : memref<640x1xf32, #tpu.memory_space<vmem>>, vector<640x1xf32>
    %mul3A_72 = vector.broadcast %get3A_71 : vector<640x1xf32> to vector<640x64xf32>
    %mul3A_73 = arith.mulf %max3A_68, %mul3A_72 : vector<640x64xf32>
    %dot_general3A_74 = arith.constant dense<0.000000e+00> : vector<64x64xf32>
    %dot_general3A_75 = tpu.matmul %get3A_10, %mul3A_73, %dot_general3A_74 {dimension_numbers = #tpu.dot_dimension_numbers<[1], [0], [0], [1], [0, 0, 1, 1], [], []>, transpose_lhs_hint = false} : vector<64x640xf32>, vector<640x64xf32>, vector<64x64xf32> -> vector<64x64xf32>
    %get3A_76 = arith.constant 0 : index
    %get3A_77 = arith.constant 0 : index
    %get3A_78 = vector.load %arg1[%get3A_76, %get3A_77] : memref<64x128xf32, #tpu.memory_space<vmem>>, vector<64x128xf32>
    %slice3A_79 = vector.extract_strided_slice %get3A_78 {offsets = [0, 64], sizes = [64, 64], strides = [1, 1]} : vector<64x128xf32> to vector<64x64xf32>
    %add3A_80 = vector.broadcast %get3A_4 : vector<1x64xf32> to vector<64x64xf32>
    %add3A_81 = arith.addf %slice3A_79, %add3A_80 : vector<64x64xf32>
    %get3A_82 = arith.constant 0 : index
    %get3A_83 = arith.constant 0 : index
    %get3A_84 = vector.load %arg7[%get3A_82, %get3A_83] : memref<64x64xf32, #tpu.memory_space<vmem>>, vector<64x64xf32>
    %dot_general3A_85 = arith.constant dense<0.000000e+00> : vector<64x64xf32>
    %dot_general3A_86 = tpu.matmul %dot_general3A_75, %get3A_84, %dot_general3A_85 {dimension_numbers = #tpu.dot_dimension_numbers<[1], [0], [0], [1], [0, 0, 1, 1], [], []>, transpose_lhs_hint = false} : vector<64x64xf32>, vector<64x64xf32>, vector<64x64xf32> -> vector<64x64xf32>
    %add3A_87 = arith.addf %add3A_81, %dot_general3A_86 : vector<64x64xf32>
    %max3A_88 = arith.constant 0.000000e+00 : f32
    %max3A_89 = vector.broadcast %max3A_88 : f32 to vector<64x64xf32>
    %max3A_90 = arith.maximumf %add3A_87, %max3A_89 : vector<64x64xf32>
    %mul3A_91 = arith.mulf %max3A_90, %max3A_90 : vector<64x64xf32>
    %reduce_sum3A_92 = arith.constant dense<0.000000e+00> : vector<64xf32>
    %reduce_sum3A_93 = vector.multi_reduction <add>, %mul3A_91, %reduce_sum3A_92 [1] : vector<64x64xf32> to vector<64xf32>
    %broadcast_in_dim3A_94 = vector.shape_cast %reduce_sum3A_93 : vector<64xf32> to vector<64x1xf32>
    %sqrt3A_95 = math.sqrt %broadcast_in_dim3A_94 : vector<64x1xf32>
    %eq3A_96 = arith.constant 0.000000e+00 : f32
    %eq3A_97 = vector.broadcast %eq3A_96 : f32 to vector<64x1xf32>
    %eq3A_98 = arith.cmpf oeq, %sqrt3A_95, %eq3A_97 : vector<64x1xf32>
    %jit3A_99 = arith.constant 1.000000e+00 : f32
    %broadcast_in_dim3A_100 = vector.broadcast %jit3A_99 : f32 to vector<64x1xf32>
    %select_n3A_101 = arith.select %eq3A_98, %broadcast_in_dim3A_100, %sqrt3A_95 : vector<64x1xi1>, vector<64x1xf32>
    %div3A_102 = vector.broadcast %select_n3A_101 : vector<64x1xf32> to vector<64x64xf32>
    %div3A_103 = arith.divf %max3A_90, %div3A_102 : vector<64x64xf32>
    %get3A_104 = arith.constant 0 : index
    %get3A_105 = arith.constant 0 : index
    %get3A_106 = vector.load %arg8[%get3A_104, %get3A_105] : memref<64x64xf32, #tpu.memory_space<vmem>>, vector<64x64xf32>
    %dot_general3A_107 = arith.constant dense<0.000000e+00> : vector<640x64xf32>
    %dot_general3A_108 = tpu.matmul %div3A_62, %get3A_106, %dot_general3A_107 {dimension_numbers = #tpu.dot_dimension_numbers<[1], [0], [0], [1], [0, 0, 1, 1], [], []>, transpose_lhs_hint = false} : vector<640x64xf32>, vector<64x64xf32>, vector<640x64xf32> -> vector<640x64xf32>
    %get3A_109 = arith.constant 0 : index
    %get3A_110 = arith.constant 0 : index
    %get3A_111 = vector.load %arg15[%get3A_109, %get3A_110] : memref<1x64xf32, #tpu.memory_space<vmem>>, vector<1x64xf32>
    %add3A_112 = vector.broadcast %get3A_111 : vector<1x64xf32> to vector<640x64xf32>
    %add3A_113 = arith.addf %dot_general3A_108, %add3A_112 : vector<640x64xf32>
    %max3A_114 = arith.constant 0.000000e+00 : f32
    %max3A_115 = vector.broadcast %max3A_114 : f32 to vector<640x64xf32>
    %max3A_116 = arith.maximumf %add3A_113, %max3A_115 : vector<640x64xf32>
    %get3A_117 = arith.constant 0 : index
    %get3A_118 = arith.constant 0 : index
    %get3A_119 = vector.load %arg4[%get3A_117, %get3A_118] : memref<640x1xf32, #tpu.memory_space<vmem>>, vector<640x1xf32>
    %mul3A_120 = vector.broadcast %get3A_119 : vector<640x1xf32> to vector<640x64xf32>
    %mul3A_121 = arith.mulf %max3A_116, %mul3A_120 : vector<640x64xf32>
    %dot_general3A_122 = arith.constant dense<0.000000e+00> : vector<64x64xf32>
    %dot_general3A_123 = tpu.matmul %get3A_10, %mul3A_121, %dot_general3A_122 {dimension_numbers = #tpu.dot_dimension_numbers<[1], [0], [0], [1], [0, 0, 1, 1], [], []>, transpose_lhs_hint = false} : vector<64x640xf32>, vector<640x64xf32>, vector<64x64xf32> -> vector<64x64xf32>
    %get3A_124 = arith.constant 0 : index
    %get3A_125 = arith.constant 0 : index
    %get3A_126 = vector.load %arg9[%get3A_124, %get3A_125] : memref<64x64xf32, #tpu.memory_space<vmem>>, vector<64x64xf32>
    %dot_general3A_127 = arith.constant dense<0.000000e+00> : vector<64x64xf32>
    %dot_general3A_128 = tpu.matmul %div3A_103, %get3A_126, %dot_general3A_127 {dimension_numbers = #tpu.dot_dimension_numbers<[1], [0], [0], [1], [0, 0, 1, 1], [], []>, transpose_lhs_hint = false} : vector<64x64xf32>, vector<64x64xf32>, vector<64x64xf32> -> vector<64x64xf32>
    %get3A_129 = arith.constant 0 : index
    %get3A_130 = arith.constant 0 : index
    %get3A_131 = vector.load %arg10[%get3A_129, %get3A_130] : memref<64x64xf32, #tpu.memory_space<vmem>>, vector<64x64xf32>
    %dot_general3A_132 = arith.constant dense<0.000000e+00> : vector<64x64xf32>
    %dot_general3A_133 = tpu.matmul %dot_general3A_123, %get3A_131, %dot_general3A_132 {dimension_numbers = #tpu.dot_dimension_numbers<[1], [0], [0], [1], [0, 0, 1, 1], [], []>, transpose_lhs_hint = false} : vector<64x64xf32>, vector<64x64xf32>, vector<64x64xf32> -> vector<64x64xf32>
    %add3A_134 = arith.addf %dot_general3A_128, %dot_general3A_133 : vector<64x64xf32>
    %get3A_135 = arith.constant 0 : index
    %get3A_136 = arith.constant 0 : index
    %get3A_137 = vector.load %arg16[%get3A_135, %get3A_136] : memref<1x64xf32, #tpu.memory_space<vmem>>, vector<1x64xf32>
    %add3A_138 = vector.broadcast %get3A_137 : vector<1x64xf32> to vector<64x64xf32>
    %add3A_139 = arith.addf %add3A_134, %add3A_138 : vector<64x64xf32>
    %max3A_140 = arith.constant 0.000000e+00 : f32
    %max3A_141 = vector.broadcast %max3A_140 : f32 to vector<64x64xf32>
    %max3A_142 = arith.maximumf %add3A_139, %max3A_141 : vector<64x64xf32>
    %mul3A_143 = arith.mulf %max3A_142, %max3A_142 : vector<64x64xf32>
    %reduce_sum3A_144 = arith.constant dense<0.000000e+00> : vector<64xf32>
    %reduce_sum3A_145 = vector.multi_reduction <add>, %mul3A_143, %reduce_sum3A_144 [1] : vector<64x64xf32> to vector<64xf32>
    %broadcast_in_dim3A_146 = vector.shape_cast %reduce_sum3A_145 : vector<64xf32> to vector<64x1xf32>
    %sqrt3A_147 = math.sqrt %broadcast_in_dim3A_146 : vector<64x1xf32>
    %eq3A_148 = arith.constant 0.000000e+00 : f32
    %eq3A_149 = vector.broadcast %eq3A_148 : f32 to vector<64x1xf32>
    %eq3A_150 = arith.cmpf oeq, %sqrt3A_147, %eq3A_149 : vector<64x1xf32>
    %jit3A_151 = arith.constant 1.000000e+00 : f32
    %broadcast_in_dim3A_152 = vector.broadcast %jit3A_151 : f32 to vector<64x1xf32>
    %select_n3A_153 = arith.select %eq3A_150, %broadcast_in_dim3A_152, %sqrt3A_147 : vector<64x1xi1>, vector<64x1xf32>
    %div3A_154 = vector.broadcast %select_n3A_153 : vector<64x1xf32> to vector<64x64xf32>
    %div3A_155 = arith.divf %max3A_142, %div3A_154 : vector<64x64xf32>
    %get3A_156 = arith.constant 0 : index
    %get3A_157 = arith.constant 0 : index
    %get3A_158 = vector.load %arg11[%get3A_156, %get3A_157] : memref<64x64xf32, #tpu.memory_space<vmem>>, vector<64x64xf32>
    %dot_general3A_159 = arith.constant dense<0.000000e+00> : vector<64x64xf32>
    %dot_general3A_160 = tpu.matmul %div3A_155, %get3A_158, %dot_general3A_159 {dimension_numbers = #tpu.dot_dimension_numbers<[1], [0], [0], [1], [0, 0, 1, 1], [], []>, transpose_lhs_hint = false} : vector<64x64xf32>, vector<64x64xf32>, vector<64x64xf32> -> vector<64x64xf32>
    %get3A_161 = arith.constant 0 : index
    %get3A_162 = arith.constant 0 : index
    %get3A_163 = vector.load %arg17[%get3A_161, %get3A_162] : memref<1x64xf32, #tpu.memory_space<vmem>>, vector<1x64xf32>
    %add3A_164 = vector.broadcast %get3A_163 : vector<1x64xf32> to vector<64x64xf32>
    %add3A_165 = arith.addf %dot_general3A_160, %add3A_164 : vector<64x64xf32>
    %max3A_166 = arith.constant 0.000000e+00 : f32
    %max3A_167 = vector.broadcast %max3A_166 : f32 to vector<64x64xf32>
    %max3A_168 = arith.maximumf %add3A_165, %max3A_167 : vector<64x64xf32>
    %get3A_169 = arith.constant 0 : index
    %get3A_170 = arith.constant 0 : index
    %get3A_171 = vector.load %arg12[%get3A_169, %get3A_170] : memref<64x64xf32, #tpu.memory_space<vmem>>, vector<64x64xf32>
    %dot_general3A_172 = arith.constant dense<0.000000e+00> : vector<64x64xf32>
    %dot_general3A_173 = tpu.matmul %max3A_168, %get3A_171, %dot_general3A_172 {dimension_numbers = #tpu.dot_dimension_numbers<[1], [0], [0], [1], [0, 0, 1, 1], [], []>, transpose_lhs_hint = false} : vector<64x64xf32>, vector<64x64xf32>, vector<64x64xf32> -> vector<64x64xf32>
    %swap3A = arith.constant 0 : index
    %swap3A_174 = arith.constant 0 : index
    %swap3A_175 = vector.load %arg18[%swap3A, %swap3A_174] : memref<64x64xf32, #tpu.memory_space<vmem>>, vector<64x64xf32>
    tpu.vector_store %arg18[%swap3A, %swap3A_174], %dot_general3A_173 {strides = array<i32>} : memref<64x64xf32, #tpu.memory_space<vmem>>, vector<64x64xf32>,
    return
  }
  func.func @transform_0(%arg0: i32) -> (i32, i32) {
    %c0_i32 = arith.constant 0 : i32
    %c0_i32_0 = arith.constant 0 : i32
    return %arg0, %c0_i32 : i32, i32
  }
  func.func @transform_1(%arg0: i32) -> (i32, i32) {
    %c0_i32 = arith.constant 0 : i32
    %c0_i32_0 = arith.constant 0 : i32
    return %arg0, %c0_i32 : i32, i32
  }
  func.func @transform_2(%arg0: i32) -> (i32, i32) {
    %c0_i32 = arith.constant 0 : i32
    %c0_i32_0 = arith.constant 0 : i32
    return %arg0, %c0_i32 : i32, i32
  }
  func.func @transform_3(%arg0: i32) -> (i32, i32) {
    %c0_i32 = arith.constant 0 : i32
    %c0_i32_0 = arith.constant 0 : i32
    return %arg0, %c0_i32 : i32, i32
  }
  func.func @transform_4(%arg0: i32) -> (i32, i32) {
    %c0_i32 = arith.constant 0 : i32
    %c0_i32_0 = arith.constant 0 : i32
    %c0_i32_1 = arith.constant 0 : i32
    return %c0_i32, %c0_i32_0 : i32, i32
  }
  func.func @transform_5(%arg0: i32) -> (i32, i32) {
    %c0_i32 = arith.constant 0 : i32
    %c0_i32_0 = arith.constant 0 : i32
    %c0_i32_1 = arith.constant 0 : i32
    return %c0_i32, %c0_i32_0 : i32, i32
  }
  func.func @transform_6(%arg0: i32) -> (i32, i32) {
    %c0_i32 = arith.constant 0 : i32
    %c0_i32_0 = arith.constant 0 : i32
    %c0_i32_1 = arith.constant 0 : i32
    return %c0_i32, %c0_i32_0 : i32, i32
  }
  func.func @transform_7(%arg0: i32) -> (i32, i32) {
    %c0_i32 = arith.constant 0 : i32
    %c0_i32_0 = arith.constant 0 : i32
    %c0_i32_1 = arith.constant 0 : i32
    return %c0_i32, %c0_i32_0 : i32, i32
  }
  func.func @transform_8(%arg0: i32) -> (i32, i32) {
    %c0_i32 = arith.constant 0 : i32
    %c0_i32_0 = arith.constant 0 : i32
    %c0_i32_1 = arith.constant 0 : i32
    return %c0_i32, %c0_i32_0 : i32, i32
  }
  func.func @transform_9(%arg0: i32) -> (i32, i32) {
    %c0_i32 = arith.constant 0 : i32
    %c0_i32_0 = arith.constant 0 : i32
    %c0_i32_1 = arith.constant 0 : i32
    return %c0_i32, %c0_i32_0 : i32, i32
  }
  func.func @transform_10(%arg0: i32) -> (i32, i32) {
    %c0_i32 = arith.constant 0 : i32
    %c0_i32_0 = arith.constant 0 : i32
    %c0_i32_1 = arith.constant 0 : i32
    return %c0_i32, %c0_i32_0 : i32, i32
  }
  func.func @transform_11(%arg0: i32) -> (i32, i32) {
    %c0_i32 = arith.constant 0 : i32
    %c0_i32_0 = arith.constant 0 : i32
    %c0_i32_1 = arith.constant 0 : i32
    return %c0_i32, %c0_i32_0 : i32, i32
  }
  func.func @transform_12(%arg0: i32) -> (i32, i32) {
    %c0_i32 = arith.constant 0 : i32
    %c0_i32_0 = arith.constant 0 : i32
    %c0_i32_1 = arith.constant 0 : i32
    return %c0_i32, %c0_i32_0 : i32, i32
  }
  func.func @transform_13(%arg0: i32) -> (i32, i32) {
    %c0_i32 = arith.constant 0 : i32
    %c0_i32_0 = arith.constant 0 : i32
    %c0_i32_1 = arith.constant 0 : i32
    return %c0_i32, %c0_i32_0 : i32, i32
  }
  func.func @transform_14(%arg0: i32) -> (i32, i32) {
    %c0_i32 = arith.constant 0 : i32
    %c0_i32_0 = arith.constant 0 : i32
    %c0_i32_1 = arith.constant 0 : i32
    return %c0_i32, %c0_i32_0 : i32, i32
  }
  func.func @transform_15(%arg0: i32) -> (i32, i32) {
    %c0_i32 = arith.constant 0 : i32
    %c0_i32_0 = arith.constant 0 : i32
    %c0_i32_1 = arith.constant 0 : i32
    return %c0_i32, %c0_i32_0 : i32, i32
  }
  func.func @transform_16(%arg0: i32) -> (i32, i32) {
    %c0_i32 = arith.constant 0 : i32
    %c0_i32_0 = arith.constant 0 : i32
    %c0_i32_1 = arith.constant 0 : i32
    return %c0_i32, %c0_i32_0 : i32, i32
  }
  func.func @transform_17(%arg0: i32) -> (i32, i32) {
    %c0_i32 = arith.constant 0 : i32
    %c0_i32_0 = arith.constant 0 : i32
    return %arg0, %c0_i32 : i32, i32
  }
}

</mosaic_0001>

<sc_bundles>
// kernel: kernel.6.cloned.1.call-start
scs
__scs_entry_jumppad:
0x0: {  	(pc) =	sbr.rel $0x88, $3  }
0x1: {  	(tag) =	ssettag $0x0;
	lr =	simm.s32 $0x1  }
0x2: {  	[smem:$0x3F8E] =	sst lr;
	_ =	strace $0xD0000000  }
0x3: {  	_ = 	snop  }
0x4: {  	_ = 	snop  }
0x5: {  	_ = 	snop  }
0x6: {  	_ = 	snop  }
0x7: {  	_ = 	snop  }
__scs_overlays_trampoline_lowered:
0x8: {  	[smem:$0x3F9D] =	sst s0  }
0x9: {  	[smem:$0x3F9E] =	sst s1  }
0xa: {  	[smem:$0x3F9F] =	sst s2  }
0xb: {  	[smem:$0x3FA0] =	sst s3  }
0xc: {  	[smem:$0x3FA1] =	sst s4  }
0xd: {  	[smem:$0x3FA2] =	sst s5  }
0xe: {  	[smem:$0x3FA3] =	sst s6  }
0xf: {  	[smem:$0x3FA4] =	sst s7  }
0x10: {  	[smem:$0x3FA5] =	sst s8  }
0x11: {  	[smem:$0x3FA6] =	sst s9;
	s0 =	simm.s32 @!p0 $0x0  }
0x12: {  	s1 =	sld [smem:$0x3F8C];
	s0 =	simm.s32 @p0 $0x1  }
0x13: {  	[smem:$0x3FA7] =	sst s0;
	s0 =	simm.s32 @!p1 $0x0  }
0x14: {  	s2 =	sld [smem:$0x3F8B];
	s0 =	simm.s32 @p1 $0x1  }
0x15: {  	[smem:$0x3FA8] =	sst s0;
	s0 =	simm.s32 @!p2 $0x0  }
0x16: {  	s3 =	sld [smem:$0x3FDB];
	s0 =	simm.s32 @p2 $0x1  }
0x17: {  	s4 =	simm.s32 $0x1BF5;
	[smem:$0x3FAA] =	sst s0  }
0x18: {  	s0 =	sld [smem:$0x3F8D];
	_ =	swait.ge [sflag:s4], $0x0  }
0x19: {  	s7 =	sld [smem:$0x3F8E]  }
0x1a: {  	s8 =	sadd.s32 $0xFFFFE003, lr  }
0x1b: {  	s9 =	sadd.s32 $0xFFFFFEF7, lr;
	s5 =	simm.s32 $0xFFFFFFFF;
	p2 =	slt.u32 s8, $0xFFFFF086  }
0x1c: {  	p1 =	slt.u32 s9, $0xF7A;
	s5 =	simm.s32 @!p2 $0x0  }
0x1d: {  	s5 =	simm.s32 @p1 $0x1;
	p0 =	seq.s32 s7, s2  }
0x1e: {  	s7 =	smul.u32 @!p0 $0xF7A, s2;
	p2 =	seq.s32 @!p0 s5, $0x0  }
0x1f: {  	s9 =	smul.u32 $0xF7A, s1;
	s8 =	simm.s32 @!p0 $0x1BF5;
	p2 =	por !p2, p0  }
0x20: {  	[sflag:s8] =	ssyncset.s32 @!p0 $0xFFFFF086;
	s6 =	sadd.s32 @!p0 s3, s7;
	s7 =	simm.s32 @!p0 $0x108  }
0x21: {  	s3 =	sadd.s32 s3, s9;
	s6 =	sadd.s32 @!p0 $0x88, s6;
	s7 =	simm.s32 @p2 $0x1082  }
0x22: {  	[simem:s7], [sflag:s8] =	dma.local @!p0 [hbm:s6], $0xF7A  }
0x23: {  	s9 =	sor.u32 $0xD0000000, s2;
	s6 =	simm.s32 $0x108;
	_ =	swait.ge @!p0 [sflag:s8], $0x0  }
0x24: {  	s3 =	sadd.s32 $0x88, s3;
	s6 =	simm.s32 @!p1 $0x1082;
	[sflag:s4] =	ssyncset.s32 $0xFFFFF086  }
0x25: {  	[simem:s6], [sflag:s4] =	dma.local [hbm:s3], $0xF7A  }
0x26: {  	[smem:$0x3F8E] =	sst s1;
	(tag) =	ssettag s2;
	_ =	strace s9  }
0x27: {  	s1 =	sld [smem:$0x3F9E]  }
0x28: {  	s2 =	sld [smem:$0x3F9F]  }
0x29: {  	s4 =	sld [smem:$0x3FA1]  }
0x2a: {  	p0 =	seq.s32 s5, $0x0;
	s5 =	sld [smem:$0x3FA2]  }
0x2b: {  	s6 =	sld [smem:$0x3FA3]  }
0x2c: {  	s7 =	sld [smem:$0x3FA4]  }
0x2d: {  	s3 =	simm.s32 $0x108;
	s8 =	sld [smem:$0x3FA5]  }
0x2e: {  	s3 =	simm.s32 @!p0 $0x1082;
	s9 =	sld [smem:$0x3FA6]  }
0x2f: {  	lr =	sadd.s32 s0, s3;
	s0 =	sld [smem:$0x3F9D]  }
0x30: {  	s3 =	sld [smem:$0x3FA0]  }
0x31: {  	[smem:$0x3FA9] =	sst s10  }
0x32: {  	s10 =	sld [smem:$0x3FA7];
	_ =	sdelay $0x3  }
0x33: {  	p0 =	seq.s32 s10, $0x1;
	s10 =	sld [smem:$0x3FA9];
	_ =	sdelay $0x3  }
0x34: {  	[smem:$0x3FA9] =	sst s10  }
0x35: {  	s10 =	sld [smem:$0x3FA8];
	_ =	sdelay $0x3  }
0x36: {  	p1 =	seq.s32 s10, $0x1;
	s10 =	sld [smem:$0x3FA9];
	_ =	sdelay $0x3  }
0x37: {  	[smem:$0x3FA9] =	sst s10  }
0x38: {  	s10 =	sld [smem:$0x3FAA]  }
0x39: {  	_ = 	snop;
	(pc) =	sbr.ind lr, $3  }
0x3a: {  	_ = 	snop  }
0x3b: {  	_ = 	snop  }
0x3c: {  	p2 =	seq.s32 s10, $0x1;
	s10 =	sld [smem:$0x3FA9]  }
0x3d: {  	_ =	shalt  }
0x3e: {  	_ =	shalt  }
0x3f: {  	_ =	shalt  }
0x40: {  	_ =	shalt  }
0x41: {  	_ =	shalt  }
0x42: {  	_ =	shalt  }
0x43: {  	_ =	shalt  }
0x44: {  	_ =	shalt  }
0x45: {  	_ =	shalt  }
0x46: {  	_ =	shalt  }
0x47: {  	_ =	shalt  }
0x48: {  	_ =	shalt  }
0x49: {  	_ =	shalt  }
0x4a: {  	_ =	shalt  }
0x4b: {  	_ =	shalt  }
0x4c: {  	_ =	shalt  }
0x4d: {  	_ =	shalt  }
0x4e: {  	_ =	shalt  }
0x4f: {  	_ =	shalt  }
0x50: {  	_ =	shalt  }
0x51: {  	_ =	shalt  }
0x52: {  	_ =	shalt  }
0x53: {  	_ =	shalt  }
0x54: {  	_ =	shalt  }
0x55: {  	_ =	shalt  }
0x56: {  	_ =	shalt  }
0x57: {  	_ =	shalt  }
0x58: {  	_ =	shalt  }
0x59: {  	_ =	shalt  }
0x5a: {  	_ =	shalt  }
0x5b: {  	_ =	shalt  }
0x5c: {  	_ =	shalt  }
0x5d: {  	_ =	shalt  }
0x5e: {  	_ =	shalt  }
0x5f: {  	_ =	shalt  }
0x60: {  	_ =	shalt  }
0x61: {  	_ =	shalt  }
0x62: {  	_ =	shalt  }
0x63: {  	_ =	shalt  }
0x64: {  	_ =	shalt  }
0x65: {  	_ =	shalt  }
0x66: {  	_ =	shalt  }
0x67: {  	_ =	shalt  }
0x68: {  	_ =	shalt  }
0x69: {  	_ =	shalt  }
0x6a: {  	_ =	shalt  }
0x6b: {  	_ =	shalt  }
0x6c: {  	_ =	shalt  }
0x6d: {  	_ =	shalt  }
0x6e: {  	_ =	shalt  }
0x6f: {  	_ =	shalt  }
0x70: {  	_ =	shalt  }
0x71: {  	_ =	shalt  }
0x72: {  	_ =	shalt  }
0x73: {  	_ =	shalt  }
0x74: {  	_ =	shalt  }
0x75: {  	_ =	shalt  }
0x76: {  	_ =	shalt  }
0x77: {  	_ =	shalt  }
0x78: {  	_ =	shalt  }
0x79: {  	_ =	shalt  }
0x7a: {  	_ =	shalt  }
0x7b: {  	_ =	shalt  }
0x7c: {  	_ =	shalt  }
0x7d: {  	_ =	shalt  }
0x7e: {  	_ =	shalt  }
0x7f: {  	_ =	shalt  }
0x80: {  	_ =	shalt  }
0x81: {  	_ =	shalt  }
0x82: {  	_ =	shalt  }
0x83: {  	_ =	shalt  }
0x84: {  	_ =	shalt  }
0x85: {  	_ =	shalt  }
0x86: {  	_ =	shalt  }
0x87: {  	_ =	shalt  }
.Lfunc_end0:
.L_simem_size_0:
called_computation_lowered:
.L_overlay_start_0:
0x88: {  	s2 =	sld [smem:$0x3FD9]  }
0x89: {  	s3 =	sld [smem:$0x3FFE];
	_ =	sdelay $0x1  }
0x8a: {  	s1 =	srdreg.scid  }
0x8b: {  	s0 =	sand.u32 $0x1, s1  }
0x8c: {  	s17 =	sshll.u32 s0, $0xA;
	s2 =	sadd.s32 s3, s2  }
0x8d: {  	s2 =	sadd.s32 s2, s17  }
0x8e: {  	[smem:$0x3FB5] =	sst s2  }
0x8f: {  	_ = 	snop  }
0x90: {  	s2 =	sld [smem:$0x3FC9]  }
0x91: {  	s18 =	sld [smem:$0x3FD0];
	(tm) =	ssettm $0x1  }
0x92: {  	s4 =	sld [smem:$0x3FFB];
	_ =	sdelay $0x3  }
0x93: {  	_ =	strace s4  }
0x94: {  	s4 =	sld [smem:$0x3FFC];
	_ =	sdelay $0x3  }
0x95: {  	_ =	strace s4  }
0x96: {  	s4 =	sld [smem:$0x3FFD];
	_ =	sdelay $0x3  }
0x97: {  	_ =	strace s4  }
0x98: {  	_ =	strace $0x8FFFFFFF  }
0x99: {  	s19 =	sld [smem:$0x3FDB];
	_ =	sdelay $0x1  }
0x9a: {  	s5 =	simm.s32 $_scs_section_size  }
0x9b: {  	s6 =	simm.s32 $_size__tile_overlayer_lowered;
	s7 =	simm.s32 $_tile_overlayer_lowered  }
0x9c: {  	s22 =	simm.s32 $0x1BFF;
	s21 =	sshll.u32 s7, $0x1;
	s4 =	sadd.s32 s5, s19  }
0x9d: {  	s8 =	simm.s32 $0x0;
	s20 =	sshll.u32 s6, $0x1;
	s6 =	sadd.s32 s21, s4  }
0x9e: {  	[timem:s8], [sflag:s22] =	dma.local [hbm:s6], s20  }
0x9f: {  	_ =	swait.ge [sflag:s22], s20  }
0xa0: {  	s5 =	ssub.s32 $0x0, s20;
	[sflag:s22] =	ssyncset.done $0x0  }
0xa1: {  	[sflag:s22] =	ssyncadd.s32 s5;
	_ =	sdelay $0x1  }
0xa2: {  	s23 =	simm.s32 $0x1B8B  }
0xa3: {  	_ =	swait.ge [sflag:s23], $0x1  }
0xa4: {  	[sflag:s23] =	ssyncset.done $0x0  }
0xa5: {  	s25 =	simm.s32 $0x1B8E;
	s24 =	sld [smem:$0x3FFE];
	[sflag:s23] =	ssyncadd.s32 $0xFFFFFFFF  }
0xa6: {  	s26 =	simm.s32 $execute0_lowered;
	[smem:$0x3FD2] =	sst s25  }
0xa7: {  	s6 =	sshll.u32 s26, $0x1;
	_ =	strace $0x80000046;
	[dreg:$0x1] =	wrdreg $0xFFFFFFFF  }
0xa8: {  	s28 =	simm.s32 $_size_execute0_lowered;
	s4 =	sadd.s32 s4, s6;
	[dreg:$0x0] =	wrdreg $0x0  }
0xa9: {  	s6 =	sshll.u32 s28, $0x1;
	[dreg:$0x2] =	wrdreg s4  }
0xaa: {  	[dreg:$0x3] =	wrdreg s6  }
0xab: {  	[dreg:$0x4] =	wrdreg $0xC0  }
0xac: {  	_ =	task [dreg:s8], $0x5FFFF  }
0xad: {  	[dreg:$0x1] =	wrdreg $0xFFFFFFFF  }
0xae: {  	[dreg:$0x0] =	wrdreg $0x60  }
0xaf: {  	[dreg:$0x2] =	wrdreg s24  }
0xb0: {  	[dreg:$0x3] =	wrdreg s18  }
0xb1: {  	[dreg:$0x4] =	wrdreg s2  }
0xb2: {  	[dreg:$0x5] =	wrdreg $0x9  }
0xb3: {  	_ =	task.clear_ibuf [dreg:s8], $0x6FFFF;
	_ =	strace $0x90000046  }
0xb4: {  	s29 =	simm.s32 $0x9;
	_ =	strace $0x80000048  }
0xb5: {  	_ =	swait.ge [sflag:s29], $0x1  }
0xb6: {  	[sflag:s29] =	ssyncadd.s32 $0xFFFFFFFF  }
0xb7: {  	_ =	strace $0x90000048  }
0xb8: {  	_ =	sfence  }
0xb9: {  	s30 =	sld [smem:$0x0];
	_ =	sdelay $0x2  }
0xba: {  	s31 =	sshll.u32 s1, $0xD;
	s1 =	sshrl.u32 s1, $0x2  }
0xbb: {  	s3 =	sand.u32 $0x4000, s31;
	s1 =	sadd.s32 s1, s30  }
0xbc: {  	s0 =	sor.u32 s3, s0;
	s1 =	sshll.u32 s1, $0x11  }
0xbd: {  	s0 =	sor.u32 s1, s0  }
0xbe: {  	s0 =	sadd.s32 $0x8F2B, s0  }
0xbf: {  	[sflag:s0] =	ssyncadd.remote.s32 $0x1  }
0xc0: {  	_ =	sfence.sel $0xFFFF  }
0xc1: {  	[dreg:$0x0] =	wrdreg $0xFFFFFFFF;
	(pc) =	sbr.abs _section_cstart, $3  }
0xc2: {  	[dreg:$0x1] =	wrdreg $0xFFFFFFFF  }
0xc3: {  	_ =	task.clear_ibuf [dreg:s8], $0x2FFFF;
	_ =	strace $0x9FFFFFFF  }
0xc4: {  	(tm) =	ssettm $0x7FFFFFFF  }
0xc5: {  	_ =	shalt  }
tec
execute0_lowered:
.L_overlay_start_1:
0x0: {  	(tag) =	ssettag $0x1  }
0x1: {  	s0 =	rddreg [dreg:$0x0]  }
0x2: {  	s1 =	srdreg.scid;
	s6 =	rddreg [dreg:$0x1]  }
0x3: {  	s2 =	stileid.u32;
	s9 =	rddreg [dreg:$0x2];
	s17 =	simm.s32 $0x2  }
0x4: {  	s18 =	simm.s32 $0x80;
	s19 =	simm.s32 $0x3500;
	s20 =	simm.s32 $0x1  }
0x5: {  	s21 =	simm.s32 $0x1900;
	s23 =	simm.s32 $0x7500;
	s25 =	simm.s32 $0x1A80  }
0x6: {  	s26 =	simm.s32 $0x1B00;
	s1 =	sand.u32 $0x1, s1;
	s2 =	sshll.u32 s2, $0x1  }
0x7: {  	s28 =	simm.s32 $0x1B80;
	s29 =	simm.s32 $0x0;
	s8 =	sor.u32 s1, s2  }
0x8: {  	s3 =	sadd.s32 $0xAC00, s0;
	s2 =	simm.s32 $0x0;
	s4 =	smul.u32 $0x50, s8  }
0x9: {  	s1 =	ssub.s32 $0x2, s1;
	[smem:$0x7FF] =	sst s2;
	s7 =	smul.u32 $0x320, s8  }
0xa: {  	s5 =	smul.u32 $0x14000, s8;
	s30 =	sshll.u32 s8, $0xB;
	s12 =	sshrl.u32 s1, $0x1  }
0xb: {  	s31 =	sshll.u32 s8, $0x4;
	_ =	strace $0x80000047;
	s1 =	ssub.s32 s1, s12  }
0xc: {  	s9 =	sadd.s32 s9, s31;
	s10 =	sadd.s32 s4, s0;
	s11 =	sadd.s32 s7, s0  }
0xd: {  	s4 =	sadd.s32 $0xFAD000, s0;
	s5 =	sshrl.u32 s5, $0x3;
	s6 =	sadd.s32 s6, s7  }
0xe: {  	s7 =	smul.u32 $0xC8000, s8;
	s16 =	sadd.s32 s5, s0;
	s0 =	sadd.s32 s30, s0  }
0xf: {  	s5 =	sadd.s32 $0x3E00, s11;
	s8 =	sadd.s32 $0xA200, s10;
	s11 =	smax.u32 s1, $0x1  }
0x10: {  	v0 =	vlaneseq.u32;
	s10 =	sadd.s32 $0xF4D000, s0;
	s12 =	sadd.s32 $0xF5D000, s16;
	s13 =	sadd.s32 $0xF5D800, s16  }
0x11: {  	v0 =	vmul.u32 $0x80, v0;
	s14 =	sadd.s32 $0xF5E000, s16;
	s15 =	sadd.s32 $0xF5E800, s16;
	s16 =	sadd.s32 $0xF5F000, s16  }
.LBB2_1:
0x12: {  	s24 =	simm.s32 $0x1C00  }
0x13: {  	[tilespmem:s24], [sflag:$0x2] =	stream.linear.gather [hbm4b:s5+s2], $0x1900, $0x38;
	[tilespmem:$0xB500] =	vst v63  }
0x14: {  	_ =	swait.ge [sflag:s17], $0x1900  }
0x15: {  	[sflag:s17] =	ssyncset.done $0x0  }
0x16: {  	[sflag:s17] =	ssyncadd.s32 $0xFFFFE700  }
0x17: {  	[tilespmem:s2], [sflag:$0x2] =	stream.linear.gather [hbm4b:s6+s2], $0x1900, $0x38;
	[tilespmem:$0xB500] =	vst v63  }
0x18: {  	_ =	swait.ge [sflag:s17], $0x1900  }
0x19: {  	[sflag:s17] =	ssyncset.done $0x0  }
0x1a: {  	s31 =	simm.s32 $0x0;
	[sflag:s17] =	ssyncadd.s32 $0xFFFFE700  }
0x1b: {  	[tilespmem:s19], [sflag:$0x1] =	stream.indirect.gather [hbm4b:s3+s18], $0x80, s2, s18, $0xb8;
	[tilespmem:$0xB500] =	vst v63  }
.LBB2_2:
0x1c: {  	s0 =	smov.u32 s31  }
0x1d: {  	s31 =	sadd.s32 $0x1, s31;
	p0 =	seq.s32 s0, $0x31  }
0x1e: {  	s1 =	sshll.u32 @!p0 s31, $0xE  }
0x1f: {  	s22 =	sshll.u32 @!p0 s31, $0x7;
	s1 =	sand.u32 @!p0 $0x4000, s1  }
0x20: {  	s30 =	simm.s32 @!p0 $0x80;
	s22 =	sand.u32 @!p0 $0x3FFFFF80, s22;
	s1 =	sor.u32 @!p0 $0x3500, s1  }
0x21: {  	[tilespmem:s1], [sflag:$0x1] =	stream.indirect.gather @!p0 [hbm4b:s3+s30], $0x80, s22, s30, $0xb8;
	[tilespmem:$0xB500] =	vst v63  }
0x22: {  	s22 =	simm.s32 $0x0  }
0x23: {  	_ =	swait.ge [sflag:s20], $0x4000;
	v1 =	vmov s22  }
0x24: {  	s1 =	sshll.u32 s0, $0xE;
	[sflag:s20] =	ssyncset.done $0x0;
	v1 =	vshll.u32 v1, $0x7  }
0x25: {  	s0 =	sand.u32 $0x4000, s1;
	[sflag:s20] =	ssyncadd.s32 $0xFFFFC000;
	v2 =	vor.u32 v0, v1  }
0x26: {  	s30 =	smov.u32 s24;
	s22 =	simm.s32 $0x10;
	s0 =	sor.u32 $0x3500, s0;
	v1 =	vld [tilespmem:s24+$0x0];
	v2 =	vor.u32 $0x40, v2  }
.LBB2_3:
0x27: {  	p0 =	sne.s32 s22, $0x70  }
.Ltmp0:
0x28: {  	_ = 	snop;
	(pc) =	sbr.rel @p0 .LBB2_3-.Ltmp0, $4  }
0x29: {  	v3 =	vmov s22  }
0x2a: {  	v3 =	vshll.u32 v3, $0x7  }
0x2b: {  	s30 =	sadd.s32 $0x10, s30;
	v3 =	vor.u32 v0, v3;
	[tilespmem:v2+s0+$0x0] =	vst.idx.msk $0xffff, v1  }
0x2c: {  	s22 =	sadd.s32 $0x10, s22;
	v2 =	vor.u32 $0x40, v3;
	v1 =	vld [tilespmem:s30+$0x0]  }
0x2d: {  	_ =	sdelay $0x1  }
0x2e: {  	s1 =	sadd.s32 s7, s1  }
0x2f: {  	p0 =	sne.s32 s31, $0x32;
	s1 =	sshrl.u32 s1, $0x3  }
.Ltmp1:
0x30: {  	s1 =	sadd.s32 s4, s1;
	[tilespmem:v2+s0+$0x0] =	vst.idx.msk $0xffff, v1;
	(pc) =	sbr.rel @p0 .LBB2_2-.Ltmp1, $4  }
0x31: {  	[hbm4b:s1+s2] =	stream.linear.scatter [tilespmem:s0], [sflag:$0x2], $0x4000, $0x38;
	[tilespmem:$0xB500] =	vst v63  }
0x32: {  	_ =	swait.ge [sflag:s17], $0x4000  }
0x33: {  	[sflag:s17] =	ssyncset.done $0x0  }
0x34: {  	s24 =	sadd.s32 $0x80, s24;
	[sflag:s17] =	ssyncadd.s32 $0xFFFFC000  }
0x35: {  	[tilespmem:s21], [sflag:$0x2] =	stream.linear.gather [hbm4b:s8+s2], $0x280, $0x38;
	[tilespmem:$0xB500] =	vst v63  }
0x36: {  	_ =	swait.ge [sflag:s17], $0x280  }
0x37: {  	[sflag:s17] =	ssyncset.done $0x0  }
0x38: {  	[sflag:s17] =	ssyncadd.s32 $0xFFFFFD80  }
0x39: {  	[tilespmem:s19], [sflag:$0x1] =	stream.indirect.gather [hbm4b:s3+s18], $0x80, s21, s18, $0xb8;
	[tilespmem:$0xB500] =	vst v63  }
0x3a: {  	s0 =	simm.s32 $0x1980  }
0x3b: {  	[tilespmem:s23], [sflag:$0x1] =	stream.indirect.gather [hbm4b:s3+s18], $0x80, s0, s18, $0xb8;
	[tilespmem:$0xB500] =	vst v63  }
0x3c: {  	_ =	swait.ge [sflag:s20], $0x4000  }
0x3d: {  	[sflag:s20] =	ssyncset.done $0x0  }
0x3e: {  	[sflag:s20] =	ssyncadd.s32 $0xFFFFC000  }
0x3f: {  	[hbm4b:s12+s2] =	stream.linear.scatter [tilespmem:s19], [sflag:$0x2], $0x4000, $0x38;
	[tilespmem:$0xB500] =	vst v63  }
0x40: {  	_ =	swait.ge [sflag:s17], $0x4000  }
0x41: {  	[sflag:s17] =	ssyncset.done $0x0  }
0x42: {  	s31 =	simm.s32 $0x1A00;
	[sflag:s17] =	ssyncadd.s32 $0xFFFFC000  }
0x43: {  	[tilespmem:s19], [sflag:$0x1] =	stream.indirect.gather [hbm4b:s3+s18], $0x80, s31, s18, $0xb8;
	[tilespmem:$0xB500] =	vst v63  }
0x44: {  	_ =	swait.ge [sflag:s20], $0x4000  }
0x45: {  	[sflag:s20] =	ssyncset.done $0x0  }
0x46: {  	[sflag:s20] =	ssyncadd.s32 $0xFFFFC000  }
0x47: {  	[hbm4b:s13+s2] =	stream.linear.scatter [tilespmem:s23], [sflag:$0x2], $0x4000, $0x38;
	[tilespmem:$0xB500] =	vst v63  }
0x48: {  	_ =	swait.ge [sflag:s17], $0x4000  }
0x49: {  	[sflag:s17] =	ssyncset.done $0x0  }
0x4a: {  	[sflag:s17] =	ssyncadd.s32 $0xFFFFC000  }
0x4b: {  	[tilespmem:s23], [sflag:$0x1] =	stream.indirect.gather [hbm4b:s3+s18], $0x80, s25, s18, $0xb8;
	[tilespmem:$0xB500] =	vst v63  }
0x4c: {  	_ =	swait.ge [sflag:s20], $0x4000  }
0x4d: {  	[sflag:s20] =	ssyncset.done $0x0  }
0x4e: {  	[sflag:s20] =	ssyncadd.s32 $0xFFFFC000  }
0x4f: {  	[hbm4b:s14+s2] =	stream.linear.scatter [tilespmem:s19], [sflag:$0x2], $0x4000, $0x38;
	[tilespmem:$0xB500] =	vst v63  }
0x50: {  	_ =	swait.ge [sflag:s17], $0x4000  }
0x51: {  	[sflag:s17] =	ssyncset.done $0x0  }
0x52: {  	[sflag:s17] =	ssyncadd.s32 $0xFFFFC000  }
0x53: {  	[tilespmem:s19], [sflag:$0x1] =	stream.indirect.gather [hbm4b:s3+s18], $0x80, s26, s18, $0xb8;
	[tilespmem:$0xB500] =	vst v63  }
0x54: {  	_ =	swait.ge [sflag:s20], $0x4000  }
0x55: {  	[sflag:s20] =	ssyncset.done $0x0  }
0x56: {  	[sflag:s20] =	ssyncadd.s32 $0xFFFFC000  }
0x57: {  	[hbm4b:s15+s2] =	stream.linear.scatter [tilespmem:s23], [sflag:$0x2], $0x4000, $0x38;
	[tilespmem:$0xB500] =	vst v63  }
0x58: {  	_ =	swait.ge [sflag:s17], $0x4000  }
0x59: {  	[sflag:s17] =	ssyncset.done $0x0  }
0x5a: {  	[sflag:s17] =	ssyncadd.s32 $0xFFFFC000  }
0x5b: {  	_ =	swait.ge [sflag:s20], $0x4000  }
0x5c: {  	[sflag:s20] =	ssyncset.done $0x0  }
0x5d: {  	[sflag:s20] =	ssyncadd.s32 $0xFFFFC000  }
0x5e: {  	[hbm4b:s16+s2] =	stream.linear.scatter [tilespmem:s19], [sflag:$0x2], $0x4000, $0x38;
	[tilespmem:$0xB500] =	vst v63  }
0x5f: {  	_ =	swait.ge [sflag:s17], $0x4000  }
0x60: {  	[sflag:s17] =	ssyncset.done $0x0  }
0x61: {  	[sflag:s17] =	ssyncadd.s32 $0xFFFFC000  }
0x62: {  	[tilespmem:s28], [sflag:$0x2] =	stream.linear.gather [hbm4b:s9+s2], $0x80, $0x38;
	[tilespmem:$0xB500] =	vst v63  }
0x63: {  	_ =	swait.ge [sflag:s17], $0x80  }
0x64: {  	[sflag:s17] =	ssyncset.done $0x0  }
0x65: {  	[sflag:s17] =	ssyncadd.s32 $0xFFFFFF80  }
0x66: {  	[tilespmem:s19], [sflag:$0x1] =	stream.indirect.gather [hbm4b:s3+s18], $0x80, s28, s18, $0xb8;
	[tilespmem:$0xB500] =	vst v63  }
0x67: {  	s29 =	sadd.s32 $0x1, s29;
	_ =	swait.ge [sflag:s20], $0x4000  }
0x68: {  	p0 =	sne.s32 s29, s11;
	[sflag:s20] =	ssyncset.done $0x0  }
.Ltmp2:
0x69: {  	[sflag:s20] =	ssyncadd.s32 $0xFFFFC000;
	(pc) =	sbr.rel @p0 .LBB2_1-.Ltmp2, $4  }
0x6a: {  	[hbm4b:s10+s2] =	stream.linear.scatter [tilespmem:s19], [sflag:$0x2], $0x4000, $0x38;
	[tilespmem:$0xB500] =	vst v63  }
0x6b: {  	_ =	swait.ge [sflag:s17], $0x4000  }
0x6c: {  	[sflag:s17] =	ssyncset.done $0x0  }
0x6d: {  	[sflag:s17] =	ssyncadd.s32 $0xFFFFC000  }
0x6e: {  	_ =	sfence.sel $0x180000  }
0x6f: {  	[bflag:$0x0] =	sbarrier.arrive $0xFFFF  }
0x70: {  	_ =	strace $0x90000047  }
0x71: {  	s0 =	stileid.u32;
	[bflag:$0x2] =	sbarrier.arrive $0xFFFF  }
0x72: {  	p0 =	sne.s32 s0, $0x0;
	s0 =	rddreg [dreg:$0x3]  }
0x73: {  	s0 =	sadd.s32 @!p0 $0x100000, s0  }
0x74: {  	[sflag:s0] =	ssyncadd.tile.s32 @!p0 $0x1;
	_ =	shalt  }
.Lfunc_end2:
_tile_overlayer_lowered:
.L_overlay_start_2:
0x75: {  	(tag) =	ssettag $0x2  }
0x76: {  	s0 =	rddreg [dreg:$0x0];
	s2 =	stileid.u32  }
0x77: {  	s1 =	rddreg [dreg:$0x1];
	p0 =	sne.s32 s2, $0x0  }
0x78: {  	s3 =	rddreg [dreg:$0x2];
	[bflag:$0x3] =	sbarrier.arrive $0xFFFF;
	s2 =	simm.s32 @!p0 $0x1C02  }
0x79: {  	[timem:s3], [sflag:s2] =	dma.local @!p0 [hbm:s0], s1  }
0x7a: {  	s0 =	simm.s32 @!p0 $0x2  }
0x7b: {  	_ =	swait.ge @!p0 [sflag:s0], s1  }
0x7c: {  	s1 =	ssub.s32 @!p0 $0x0, s1;
	[sflag:s0] =	ssyncset.done @!p0 $0x0  }
0x7d: {  	[sflag:s0] =	ssyncadd.s32 @!p0 s1  }
0x7e: {  	[bflag:$0x3] =	sbarrier.arrive $0xFFFF  }
0x7f: {  	_ =	shalt  }

// kernel: kernel.9.cloned.1.call-start
scs
__scs_entry_jumppad:
0x0: {  	(pc) =	sbr.rel $0x88, $3  }
0x1: {  	(tag) =	ssettag $0x0;
	lr =	simm.s32 $0x1  }
0x2: {  	[smem:$0x3F8E] =	sst lr;
	_ =	strace $0xD0000000  }
0x3: {  	_ = 	snop  }
0x4: {  	_ = 	snop  }
0x5: {  	_ = 	snop  }
0x6: {  	_ = 	snop  }
0x7: {  	_ = 	snop  }
__scs_overlays_trampoline_lowered:
0x8: {  	[smem:$0x3F9D] =	sst s0  }
0x9: {  	[smem:$0x3F9E] =	sst s1  }
0xa: {  	[smem:$0x3F9F] =	sst s2  }
0xb: {  	[smem:$0x3FA0] =	sst s3  }
0xc: {  	[smem:$0x3FA1] =	sst s4  }
0xd: {  	[smem:$0x3FA2] =	sst s5  }
0xe: {  	[smem:$0x3FA3] =	sst s6  }
0xf: {  	[smem:$0x3FA4] =	sst s7  }
0x10: {  	[smem:$0x3FA5] =	sst s8  }
0x11: {  	[smem:$0x3FA6] =	sst s9;
	s0 =	simm.s32 @!p0 $0x0  }
0x12: {  	s1 =	sld [smem:$0x3F8C];
	s0 =	simm.s32 @p0 $0x1  }
0x13: {  	[smem:$0x3FA7] =	sst s0;
	s0 =	simm.s32 @!p1 $0x0  }
0x14: {  	s2 =	sld [smem:$0x3F8B];
	s0 =	simm.s32 @p1 $0x1  }
0x15: {  	[smem:$0x3FA8] =	sst s0;
	s0 =	simm.s32 @!p2 $0x0  }
0x16: {  	s3 =	sld [smem:$0x3FDB];
	s0 =	simm.s32 @p2 $0x1  }
0x17: {  	s4 =	simm.s32 $0x1BF5;
	[smem:$0x3FAA] =	sst s0  }
0x18: {  	s0 =	sld [smem:$0x3F8D];
	_ =	swait.ge [sflag:s4], $0x0  }
0x19: {  	s7 =	sld [smem:$0x3F8E]  }
0x1a: {  	s8 =	sadd.s32 $0xFFFFE003, lr  }
0x1b: {  	s9 =	sadd.s32 $0xFFFFFEF7, lr;
	s5 =	simm.s32 $0xFFFFFFFF;
	p2 =	slt.u32 s8, $0xFFFFF086  }
0x1c: {  	p1 =	slt.u32 s9, $0xF7A;
	s5 =	simm.s32 @!p2 $0x0  }
0x1d: {  	s5 =	simm.s32 @p1 $0x1;
	p0 =	seq.s32 s7, s2  }
0x1e: {  	s7 =	smul.u32 @!p0 $0xF7A, s2;
	p2 =	seq.s32 @!p0 s5, $0x0  }
0x1f: {  	s9 =	smul.u32 $0xF7A, s1;
	s8 =	simm.s32 @!p0 $0x1BF5;
	p2 =	por !p2, p0  }
0x20: {  	[sflag:s8] =	ssyncset.s32 @!p0 $0xFFFFF086;
	s6 =	sadd.s32 @!p0 s3, s7;
	s7 =	simm.s32 @!p0 $0x108  }
0x21: {  	s3 =	sadd.s32 s3, s9;
	s6 =	sadd.s32 @!p0 $0x88, s6;
	s7 =	simm.s32 @p2 $0x1082  }
0x22: {  	[simem:s7], [sflag:s8] =	dma.local @!p0 [hbm:s6], $0xF7A  }
0x23: {  	s9 =	sor.u32 $0xD0000000, s2;
	s6 =	simm.s32 $0x108;
	_ =	swait.ge @!p0 [sflag:s8], $0x0  }
0x24: {  	s3 =	sadd.s32 $0x88, s3;
	s6 =	simm.s32 @!p1 $0x1082;
	[sflag:s4] =	ssyncset.s32 $0xFFFFF086  }
0x25: {  	[simem:s6], [sflag:s4] =	dma.local [hbm:s3], $0xF7A  }
0x26: {  	[smem:$0x3F8E] =	sst s1;
	(tag) =	ssettag s2;
	_ =	strace s9  }
0x27: {  	s1 =	sld [smem:$0x3F9E]  }
0x28: {  	s2 =	sld [smem:$0x3F9F]  }
0x29: {  	s4 =	sld [smem:$0x3FA1]  }
0x2a: {  	p0 =	seq.s32 s5, $0x0;
	s5 =	sld [smem:$0x3FA2]  }
0x2b: {  	s6 =	sld [smem:$0x3FA3]  }
0x2c: {  	s7 =	sld [smem:$0x3FA4]  }
0x2d: {  	s3 =	simm.s32 $0x108;
	s8 =	sld [smem:$0x3FA5]  }
0x2e: {  	s3 =	simm.s32 @!p0 $0x1082;
	s9 =	sld [smem:$0x3FA6]  }
0x2f: {  	lr =	sadd.s32 s0, s3;
	s0 =	sld [smem:$0x3F9D]  }
0x30: {  	s3 =	sld [smem:$0x3FA0]  }
0x31: {  	[smem:$0x3FA9] =	sst s10  }
0x32: {  	s10 =	sld [smem:$0x3FA7];
	_ =	sdelay $0x3  }
0x33: {  	p0 =	seq.s32 s10, $0x1;
	s10 =	sld [smem:$0x3FA9];
	_ =	sdelay $0x3  }
0x34: {  	[smem:$0x3FA9] =	sst s10  }
0x35: {  	s10 =	sld [smem:$0x3FA8];
	_ =	sdelay $0x3  }
0x36: {  	p1 =	seq.s32 s10, $0x1;
	s10 =	sld [smem:$0x3FA9];
	_ =	sdelay $0x3  }
0x37: {  	[smem:$0x3FA9] =	sst s10  }
0x38: {  	s10 =	sld [smem:$0x3FAA]  }
0x39: {  	_ = 	snop;
	(pc) =	sbr.ind lr, $3  }
0x3a: {  	_ = 	snop  }
0x3b: {  	_ = 	snop  }
0x3c: {  	p2 =	seq.s32 s10, $0x1;
	s10 =	sld [smem:$0x3FA9]  }
0x3d: {  	_ =	shalt  }
0x3e: {  	_ =	shalt  }
0x3f: {  	_ =	shalt  }
0x40: {  	_ =	shalt  }
0x41: {  	_ =	shalt  }
0x42: {  	_ =	shalt  }
0x43: {  	_ =	shalt  }
0x44: {  	_ =	shalt  }
0x45: {  	_ =	shalt  }
0x46: {  	_ =	shalt  }
0x47: {  	_ =	shalt  }
0x48: {  	_ =	shalt  }
0x49: {  	_ =	shalt  }
0x4a: {  	_ =	shalt  }
0x4b: {  	_ =	shalt  }
0x4c: {  	_ =	shalt  }
0x4d: {  	_ =	shalt  }
0x4e: {  	_ =	shalt  }
0x4f: {  	_ =	shalt  }
0x50: {  	_ =	shalt  }
0x51: {  	_ =	shalt  }
0x52: {  	_ =	shalt  }
0x53: {  	_ =	shalt  }
0x54: {  	_ =	shalt  }
0x55: {  	_ =	shalt  }
0x56: {  	_ =	shalt  }
0x57: {  	_ =	shalt  }
0x58: {  	_ =	shalt  }
0x59: {  	_ =	shalt  }
0x5a: {  	_ =	shalt  }
0x5b: {  	_ =	shalt  }
0x5c: {  	_ =	shalt  }
0x5d: {  	_ =	shalt  }
0x5e: {  	_ =	shalt  }
0x5f: {  	_ =	shalt  }
0x60: {  	_ =	shalt  }
0x61: {  	_ =	shalt  }
0x62: {  	_ =	shalt  }
0x63: {  	_ =	shalt  }
0x64: {  	_ =	shalt  }
0x65: {  	_ =	shalt  }
0x66: {  	_ =	shalt  }
0x67: {  	_ =	shalt  }
0x68: {  	_ =	shalt  }
0x69: {  	_ =	shalt  }
0x6a: {  	_ =	shalt  }
0x6b: {  	_ =	shalt  }
0x6c: {  	_ =	shalt  }
0x6d: {  	_ =	shalt  }
0x6e: {  	_ =	shalt  }
0x6f: {  	_ =	shalt  }
0x70: {  	_ =	shalt  }
0x71: {  	_ =	shalt  }
0x72: {  	_ =	shalt  }
0x73: {  	_ =	shalt  }
0x74: {  	_ =	shalt  }
0x75: {  	_ =	shalt  }
0x76: {  	_ =	shalt  }
0x77: {  	_ =	shalt  }
0x78: {  	_ =	shalt  }
0x79: {  	_ =	shalt  }
0x7a: {  	_ =	shalt  }
0x7b: {  	_ =	shalt  }
0x7c: {  	_ =	shalt  }
0x7d: {  	_ =	shalt  }
0x7e: {  	_ =	shalt  }
0x7f: {  	_ =	shalt  }
0x80: {  	_ =	shalt  }
0x81: {  	_ =	shalt  }
0x82: {  	_ =	shalt  }
0x83: {  	_ =	shalt  }
0x84: {  	_ =	shalt  }
0x85: {  	_ =	shalt  }
0x86: {  	_ =	shalt  }
0x87: {  	_ =	shalt  }
.Lfunc_end0:
.L_simem_size_0:
called_computation.1_lowered:
.L_overlay_start_0:
0x88: {  	s2 =	sld [smem:$0x3FD9]  }
0x89: {  	s3 =	sld [smem:$0x3FFE];
	_ =	sdelay $0x1  }
0x8a: {  	s1 =	srdreg.scid  }
0x8b: {  	s0 =	sand.u32 $0x1, s1  }
0x8c: {  	s17 =	sshll.u32 s0, $0xA;
	s2 =	sadd.s32 s3, s2  }
0x8d: {  	s2 =	sadd.s32 s2, s17  }
0x8e: {  	[smem:$0x3FB5] =	sst s2  }
0x8f: {  	_ = 	snop  }
0x90: {  	(tm) =	ssettm $0x1  }
0x91: {  	s18 =	sld [smem:$0x3FFB];
	_ =	sdelay $0x3  }
0x92: {  	_ =	strace s18  }
0x93: {  	s2 =	sld [smem:$0x3FFC];
	_ =	sdelay $0x3  }
0x94: {  	_ =	strace s2  }
0x95: {  	s2 =	sld [smem:$0x3FFD];
	_ =	sdelay $0x3  }
0x96: {  	_ =	strace s2  }
0x97: {  	_ =	strace $0x8FFFFFFF  }
0x98: {  	s19 =	sld [smem:$0x3FDB];
	_ =	sdelay $0x1  }
0x99: {  	s20 =	simm.s32 $_scs_section_size  }
0x9a: {  	s4 =	simm.s32 $_size__tile_overlayer_lowered;
	s5 =	simm.s32 $_tile_overlayer_lowered  }
0x9b: {  	s6 =	simm.s32 $0x1BFF;
	s21 =	sshll.u32 s5, $0x1;
	s3 =	sadd.s32 s20, s19  }
0x9c: {  	s22 =	simm.s32 $0x0;
	s4 =	sshll.u32 s4, $0x1;
	s5 =	sadd.s32 s21, s3  }
0x9d: {  	[timem:s22], [sflag:s6] =	dma.local [hbm:s5], s4  }
0x9e: {  	_ =	swait.ge [sflag:s6], s4  }
0x9f: {  	s4 =	ssub.s32 $0x0, s4;
	[sflag:s6] =	ssyncset.done $0x0  }
0xa0: {  	[sflag:s6] =	ssyncadd.s32 s4;
	_ =	sdelay $0x1  }
0xa1: {  	s23 =	simm.s32 $0x1B8B  }
0xa2: {  	_ =	swait.ge [sflag:s23], $0x1  }
0xa3: {  	[sflag:s23] =	ssyncset.done $0x0  }
0xa4: {  	[sflag:s23] =	ssyncadd.s32 $0xFFFFFFFF  }
0xa5: {  	s4 =	sld [smem:$0x0]  }
0xa6: {  	s5 =	sand.u32 $0xFFFFFFFE, s1  }
0xa7: {  	p0 =	sne.s32 s1, s5  }
0xa8: {  	s5 =	sshll.u32 @p0 s5, $0xE  }
0xa9: {  	s5 =	sadd.s32 @p0 $0x11B8D, s5;
	s6 =	sshll.u32 @p0 s4, $0x11  }
0xaa: {  	s5 =	sor.u32 @p0 s6, s5  }
0xab: {  	[sflag:s5] =	ssyncadd.remote.s32 @p0 $0x1;
	_ =	sdelay $0x1  }
0xac: {  	s5 =	simm.s32 @p0 $0x1B8D  }
0xad: {  	_ =	swait.eq @p0 [sflag:s5], $0x1  }
0xae: {  	[sflag:s5] =	ssyncadd.s32 @p0 $0xFFFFFFFF  }
0xaf: {  	s6 =	sshll.u32 @!p0 s1, $0xE  }
0xb0: {  	s6 =	sor.u32 @!p0 $0x4000, s6;
	s5 =	simm.s32 @!p0 $0x1B8D  }
0xb1: {  	s4 =	sshll.u32 @!p0 s4, $0x11;
	s6 =	sadd.s32 @!p0 $0x11B8D, s6;
	_ =	swait.eq @!p0 [sflag:s5], $0x1  }
0xb2: {  	s4 =	sor.u32 @!p0 s4, s6;
	[sflag:s5] =	ssyncadd.s32 @!p0 $0xFFFFFFFF  }
0xb3: {  	s25 =	simm.s32 $0x1B8E;
	s24 =	sld [smem:$0x3FFE];
	[sflag:s4] =	ssyncadd.remote.s32 @!p0 $0x1  }
0xb4: {  	s26 =	simm.s32 $execute0_lowered;
	[smem:$0x3FD2] =	sst s25  }
0xb5: {  	s5 =	sshll.u32 s26, $0x1;
	_ =	strace $0x80000049;
	[dreg:$0x1] =	wrdreg $0xFFFFFFFF  }
0xb6: {  	s28 =	simm.s32 $_size_execute0_lowered;
	s3 =	sadd.s32 s3, s5;
	[dreg:$0x0] =	wrdreg $0x0  }
0xb7: {  	s5 =	sshll.u32 s28, $0x1;
	[dreg:$0x2] =	wrdreg s3  }
0xb8: {  	[dreg:$0x3] =	wrdreg s5  }
0xb9: {  	[dreg:$0x4] =	wrdreg $0xC0  }
0xba: {  	_ =	task [dreg:s22], $0x5FFFF  }
0xbb: {  	[dreg:$0x1] =	wrdreg $0xFFFFFFFF  }
0xbc: {  	[dreg:$0x0] =	wrdreg $0x60  }
0xbd: {  	[dreg:$0x2] =	wrdreg s24  }
0xbe: {  	[dreg:$0x3] =	wrdreg $0xA  }
0xbf: {  	_ =	task.clear_ibuf [dreg:s22], $0x4FFFF;
	_ =	strace $0x90000049  }
0xc0: {  	s29 =	simm.s32 $0xA;
	_ =	strace $0x8000004B  }
0xc1: {  	_ =	swait.ge [sflag:s29], $0x1  }
0xc2: {  	[sflag:s29] =	ssyncadd.s32 $0xFFFFFFFF  }
0xc3: {  	_ =	strace $0x9000004B  }
0xc4: {  	_ =	sfence  }
0xc5: {  	s30 =	sld [smem:$0x0];
	_ =	sdelay $0x2  }
0xc6: {  	s31 =	sshll.u32 s1, $0xD;
	s1 =	sshrl.u32 s1, $0x2  }
0xc7: {  	s4 =	sand.u32 $0x4000, s31;
	s1 =	sadd.s32 s1, s30  }
0xc8: {  	s0 =	sor.u32 s4, s0;
	s1 =	sshll.u32 s1, $0x11  }
0xc9: {  	s0 =	sor.u32 s1, s0  }
0xca: {  	s0 =	sadd.s32 $0x8F2B, s0  }
0xcb: {  	[sflag:s0] =	ssyncadd.remote.s32 $0x1  }
0xcc: {  	_ =	sfence.sel $0xFFFF  }
0xcd: {  	[dreg:$0x0] =	wrdreg $0xFFFFFFFF;
	(pc) =	sbr.abs _section_cstart, $3  }
0xce: {  	[dreg:$0x1] =	wrdreg $0xFFFFFFFF  }
0xcf: {  	_ =	task.clear_ibuf [dreg:s22], $0x2FFFF;
	_ =	strace $0x9FFFFFFF  }
0xd0: {  	(tm) =	ssettm $0x7FFFFFFF  }
0xd1: {  	_ =	shalt  }
tec
execute0_lowered:
.L_overlay_start_1:
0x0: {  	(tag) =	ssettag $0x1  }
0x1: {  	s1 =	srdreg.scid  }
0x2: {  	s0 =	stileid.u32;
	s5 =	rddreg [dreg:$0x0]  }
0x3: {  	s15 =	simm.s32 $0x2;
	s16 =	simm.s32 $0x80;
	s17 =	simm.s32 $0x3480  }
0x4: {  	s18 =	simm.s32 $0x1;
	s19 =	simm.s32 $0x1900;
	s20 =	simm.s32 $0x1980  }
0x5: {  	s21 =	simm.s32 $0x7480;
	s1 =	sand.u32 $0x1, s1;
	s2 =	sshll.u32 s0, $0x1  }
0x6: {  	s22 =	simm.s32 $0x1A00;
	s23 =	simm.s32 $0x1A80;
	s7 =	sor.u32 s1, s2  }
0x7: {  	s24 =	simm.s32 $0x1B00;
	s25 =	simm.s32 $0x0;
	s4 =	smul.u32 $0x320, s7  }
0x8: {  	s3 =	sadd.s32 $0xAC00, s5;
	s2 =	simm.s32 $0x0;
	s6 =	smul.u32 $0x50, s7  }
0x9: {  	s1 =	ssub.s32 $0x2, s1;
	[smem:$0x7FF] =	sst s2;
	s8 =	smul.u32 $0x14000, s7  }
0xa: {  	s7 =	smul.u32 $0xC8000, s7;
	_ =	strace $0x8000004A;
	s9 =	sadd.s32 s4, s5  }
0xb: {  	s10 =	sadd.s32 s6, s5;
	s4 =	sadd.s32 $0x132A200, s5;
	s31 =	sshrl.u32 s8, $0x3  }
0xc: {  	s14 =	sadd.s32 s31, s5;
	s5 =	sadd.s32 $0x12D3400, s9;
	s6 =	sadd.s32 $0x12CD000, s9  }
0xd: {  	s11 =	sshrl.u32 s1, $0x1;
	s8 =	sadd.s32 $0x12D9800, s10;
	s9 =	sadd.s32 $0x12DA200, s14  }
0xe: {  	v0 =	vlaneseq.u32;
	s1 =	ssub.s32 s1, s11;
	s10 =	sadd.s32 $0x12DAA00, s14;
	s12 =	sadd.s32 $0x12DB200, s14  }
0xf: {  	v0 =	vmul.u32 $0x80, v0;
	s11 =	smax.u32 s1, $0x1;
	s13 =	sadd.s32 $0x12DBA00, s14;
	s14 =	sadd.s32 $0x12DC200, s14  }
.LBB2_1:
0x10: {  	s1 =	simm.s32 $0x1B80  }
0x11: {  	[tilespmem:s1], [sflag:$0x2] =	stream.linear.gather [hbm4b:s6+s2], $0x1900, $0x38;
	[tilespmem:$0xB480] =	vst v63  }
0x12: {  	_ =	swait.ge [sflag:s15], $0x1900  }
0x13: {  	[sflag:s15] =	ssyncset.done $0x0  }
0x14: {  	[sflag:s15] =	ssyncadd.s32 $0xFFFFE700  }
0x15: {  	[tilespmem:s2], [sflag:$0x2] =	stream.linear.gather [hbm4b:s5+s2], $0x1900, $0x38;
	[tilespmem:$0xB480] =	vst v63  }
0x16: {  	_ =	swait.ge [sflag:s15], $0x1900  }
0x17: {  	[sflag:s15] =	ssyncset.done $0x0  }
0x18: {  	s28 =	simm.s32 $0x0;
	[sflag:s15] =	ssyncadd.s32 $0xFFFFE700  }
0x19: {  	[tilespmem:s17], [sflag:$0x1] =	stream.indirect.gather [hbm4b:s3+s16], $0x80, s2, s16, $0xb8;
	[tilespmem:$0xB480] =	vst v63  }
.LBB2_2:
0x1a: {  	s26 =	smov.u32 s28  }
0x1b: {  	s28 =	sadd.s32 $0x1, s28;
	p0 =	seq.s32 s26, $0x31  }
0x1c: {  	s29 =	sshll.u32 @!p0 s28, $0xE  }
0x1d: {  	s30 =	sshll.u32 @!p0 s28, $0x7;
	s29 =	sand.u32 @!p0 $0x4000, s29  }
0x1e: {  	s31 =	simm.s32 @!p0 $0x80;
	s30 =	sand.u32 @!p0 $0x3FFFFF80, s30;
	s29 =	sor.u32 @!p0 $0x3480, s29  }
0x1f: {  	[tilespmem:s29], [sflag:$0x1] =	stream.indirect.gather @!p0 [hbm4b:s3+s31], $0x80, s30, s31, $0xb8;
	[tilespmem:$0xB480] =	vst v63  }
0x20: {  	s29 =	simm.s32 $0x0  }
0x21: {  	_ =	swait.ge [sflag:s18], $0x4000;
	v1 =	vmov s29  }
0x22: {  	s29 =	sshll.u32 s26, $0xE;
	[sflag:s18] =	ssyncset.done $0x0;
	v1 =	vshll.u32 v1, $0x7  }
0x23: {  	s26 =	sand.u32 $0x4000, s29;
	[sflag:s18] =	ssyncadd.s32 $0xFFFFC000;
	v2 =	vor.u32 v0, v1  }
0x24: {  	s31 =	simm.s32 $0x10;
	s30 =	sor.u32 $0x3480, s26;
	s26 =	smov.u32 s1;
	v1 =	vld [tilespmem:s1+$0x0];
	v2 =	vor.u32 $0x40, v2  }
.LBB2_3:
0x25: {  	p0 =	sne.s32 s31, $0x70  }
.Ltmp0:
0x26: {  	_ = 	snop;
	(pc) =	sbr.rel @p0 .LBB2_3-.Ltmp0, $4  }
0x27: {  	v3 =	vmov s31  }
0x28: {  	v3 =	vshll.u32 v3, $0x7  }
0x29: {  	s26 =	sadd.s32 $0x10, s26;
	v3 =	vor.u32 v0, v3;
	[tilespmem:v2+s30+$0x0] =	vst.idx.msk $0xffff, v1  }
0x2a: {  	s31 =	sadd.s32 $0x10, s31;
	v2 =	vor.u32 $0x40, v3;
	v1 =	vld [tilespmem:s26+$0x0]  }
0x2b: {  	_ =	sdelay $0x1  }
0x2c: {  	s26 =	sadd.s32 s7, s29  }
0x2d: {  	p0 =	sne.s32 s28, $0x32;
	s26 =	sshrl.u32 s26, $0x3  }
.Ltmp1:
0x2e: {  	s26 =	sadd.s32 s4, s26;
	[tilespmem:v2+s30+$0x0] =	vst.idx.msk $0xffff, v1;
	(pc) =	sbr.rel @p0 .LBB2_2-.Ltmp1, $4  }
0x2f: {  	[hbm4b:s26+s2] =	stream.linear.scatter [tilespmem:s30], [sflag:$0x2], $0x4000, $0x38;
	[tilespmem:$0xB480] =	vst v63  }
0x30: {  	_ =	swait.ge [sflag:s15], $0x4000  }
0x31: {  	[sflag:s15] =	ssyncset.done $0x0  }
0x32: {  	s1 =	sadd.s32 $0x80, s1;
	[sflag:s15] =	ssyncadd.s32 $0xFFFFC000  }
0x33: {  	[tilespmem:s19], [sflag:$0x2] =	stream.linear.gather [hbm4b:s8+s2], $0x280, $0x38;
	[tilespmem:$0xB480] =	vst v63  }
0x34: {  	_ =	swait.ge [sflag:s15], $0x280  }
0x35: {  	[sflag:s15] =	ssyncset.done $0x0  }
0x36: {  	[sflag:s15] =	ssyncadd.s32 $0xFFFFFD80  }
0x37: {  	[tilespmem:s17], [sflag:$0x1] =	stream.indirect.gather [hbm4b:s3+s16], $0x80, s19, s16, $0xb8;
	[tilespmem:$0xB480] =	vst v63  }
0x38: {  	_ = 	snop  }
0x39: {  	[tilespmem:s21], [sflag:$0x1] =	stream.indirect.gather [hbm4b:s3+s16], $0x80, s20, s16, $0xb8;
	[tilespmem:$0xB480] =	vst v63  }
0x3a: {  	_ =	swait.ge [sflag:s18], $0x4000  }
0x3b: {  	[sflag:s18] =	ssyncset.done $0x0  }
0x3c: {  	[sflag:s18] =	ssyncadd.s32 $0xFFFFC000  }
0x3d: {  	[hbm4b:s9+s2] =	stream.linear.scatter [tilespmem:s17], [sflag:$0x2], $0x4000, $0x38;
	[tilespmem:$0xB480] =	vst v63  }
0x3e: {  	_ =	swait.ge [sflag:s15], $0x4000  }
0x3f: {  	[sflag:s15] =	ssyncset.done $0x0  }
0x40: {  	[sflag:s15] =	ssyncadd.s32 $0xFFFFC000  }
0x41: {  	[tilespmem:s17], [sflag:$0x1] =	stream.indirect.gather [hbm4b:s3+s16], $0x80, s22, s16, $0xb8;
	[tilespmem:$0xB480] =	vst v63  }
0x42: {  	_ =	swait.ge [sflag:s18], $0x4000  }
0x43: {  	[sflag:s18] =	ssyncset.done $0x0  }
0x44: {  	[sflag:s18] =	ssyncadd.s32 $0xFFFFC000  }
0x45: {  	[hbm4b:s10+s2] =	stream.linear.scatter [tilespmem:s21], [sflag:$0x2], $0x4000, $0x38;
	[tilespmem:$0xB480] =	vst v63  }
0x46: {  	_ =	swait.ge [sflag:s15], $0x4000  }
0x47: {  	[sflag:s15] =	ssyncset.done $0x0  }
0x48: {  	[sflag:s15] =	ssyncadd.s32 $0xFFFFC000  }
0x49: {  	[tilespmem:s21], [sflag:$0x1] =	stream.indirect.gather [hbm4b:s3+s16], $0x80, s23, s16, $0xb8;
	[tilespmem:$0xB480] =	vst v63  }
0x4a: {  	_ =	swait.ge [sflag:s18], $0x4000  }
0x4b: {  	[sflag:s18] =	ssyncset.done $0x0  }
0x4c: {  	[sflag:s18] =	ssyncadd.s32 $0xFFFFC000  }
0x4d: {  	[hbm4b:s12+s2] =	stream.linear.scatter [tilespmem:s17], [sflag:$0x2], $0x4000, $0x38;
	[tilespmem:$0xB480] =	vst v63  }
0x4e: {  	_ =	swait.ge [sflag:s15], $0x4000  }
0x4f: {  	[sflag:s15] =	ssyncset.done $0x0  }
0x50: {  	[sflag:s15] =	ssyncadd.s32 $0xFFFFC000  }
0x51: {  	[tilespmem:s17], [sflag:$0x1] =	stream.indirect.gather [hbm4b:s3+s16], $0x80, s24, s16, $0xb8;
	[tilespmem:$0xB480] =	vst v63  }
0x52: {  	_ =	swait.ge [sflag:s18], $0x4000  }
0x53: {  	[sflag:s18] =	ssyncset.done $0x0  }
0x54: {  	[sflag:s18] =	ssyncadd.s32 $0xFFFFC000  }
0x55: {  	[hbm4b:s13+s2] =	stream.linear.scatter [tilespmem:s21], [sflag:$0x2], $0x4000, $0x38;
	[tilespmem:$0xB480] =	vst v63  }
0x56: {  	_ =	swait.ge [sflag:s15], $0x4000  }
0x57: {  	[sflag:s15] =	ssyncset.done $0x0  }
0x58: {  	[sflag:s15] =	ssyncadd.s32 $0xFFFFC000  }
0x59: {  	s25 =	sadd.s32 $0x1, s25;
	_ =	swait.ge [sflag:s18], $0x4000  }
0x5a: {  	p0 =	sne.s32 s25, s11;
	[sflag:s18] =	ssyncset.done $0x0  }
.Ltmp2:
0x5b: {  	[sflag:s18] =	ssyncadd.s32 $0xFFFFC000;
	(pc) =	sbr.rel @p0 .LBB2_1-.Ltmp2, $4  }
0x5c: {  	[hbm4b:s14+s2] =	stream.linear.scatter [tilespmem:s17], [sflag:$0x2], $0x4000, $0x38;
	[tilespmem:$0xB480] =	vst v63  }
0x5d: {  	_ =	swait.ge [sflag:s15], $0x4000  }
0x5e: {  	[sflag:s15] =	ssyncset.done $0x0  }
0x5f: {  	[sflag:s15] =	ssyncadd.s32 $0xFFFFC000  }
0x60: {  	_ =	sfence.sel $0x180000  }
0x61: {  	[bflag:$0x0] =	sbarrier.arrive $0xFFFF  }
0x62: {  	_ =	strace $0x9000004A  }
0x63: {  	[bflag:$0x2] =	sbarrier.arrive $0xFFFF  }
0x64: {  	p0 =	sne.s32 s0, $0x0;
	s0 =	rddreg [dreg:$0x1]  }
0x65: {  	s0 =	sadd.s32 @!p0 $0x100000, s0  }
0x66: {  	[sflag:s0] =	ssyncadd.tile.s32 @!p0 $0x1;
	_ =	shalt  }
.Lfunc_end2:
_tile_overlayer_lowered:
.L_overlay_start_2:
0x67: {  	(tag) =	ssettag $0x2  }
0x68: {  	s0 =	rddreg [dreg:$0x0];
	s2 =	stileid.u32  }
0x69: {  	s1 =	rddreg [dreg:$0x1];
	p0 =	sne.s32 s2, $0x0  }
0x6a: {  	s3 =	rddreg [dreg:$0x2];
	[bflag:$0x3] =	sbarrier.arrive $0xFFFF;
	s2 =	simm.s32 @!p0 $0x1C02  }
0x6b: {  	[timem:s3], [sflag:s2] =	dma.local @!p0 [hbm:s0], s1  }
0x6c: {  	s0 =	simm.s32 @!p0 $0x2  }
0x6d: {  	_ =	swait.ge @!p0 [sflag:s0], s1  }
0x6e: {  	s1 =	ssub.s32 @!p0 $0x0, s1;
	[sflag:s0] =	ssyncset.done @!p0 $0x0  }
0x6f: {  	[sflag:s0] =	ssyncadd.s32 @!p0 s1  }
0x70: {  	[bflag:$0x3] =	sbarrier.arrive $0xFFFF  }
0x71: {  	_ =	shalt  }

</sc_bundles>
